<compile_context>
chip_gen: v7x
topology: tpu7x:2x2x1
jax: 0.10.2.dev20260603
libtpu: 0.0.44.dev20260713+nightly
codegen_flags: <defaults>
</compile_context>

<pallas_src>
import functools

import jax
import jax.numpy as jnp
from jax import lax
from jax.experimental import pallas as pl
from jax.experimental.pallas import tpu as pltpu
from jax.experimental.pallas import tpu_sc as plsc

_DIM = 32
_NE = 8192
_COMMIT = 0.25
_BLK = 1024
_CB = 2048

_NC = 2
_NS = 16
_NW = _NC * _NS
_ROWS = 8192
_BPW = _ROWS // _NW


def _dist_argmin(z2_ref, f_ref, e_ref, e2_ref, idx_ref):
    fb = f_ref[...]
    Eb = e_ref[...]
    z2 = z2_ref[0, 0, :].reshape(_BLK, 1)
    e2 = e2_ref[...]

    a = (2.0 * fb).astype(jnp.bfloat16)
    E16 = Eb.astype(jnp.bfloat16)
    m = jnp.dot(a, E16, preferred_element_type=jnp.float32)

    lane_f = lax.broadcasted_iota(jnp.int32, (_BLK, 128), 1).astype(jnp.float32)
    accf = None
    acci = None
    ng = _CB // 128
    for b in range(_NE // _CB):
        c0 = b * _CB
        colmin = z2 - m[:, c0:c0 + 128] + e2[:, c0:c0 + 128]
        colgid = jnp.zeros((_BLK, 128), jnp.float32)
        for g in range(1, ng):
            s = c0 + g * 128
            grp = z2 - m[:, s:s + 128] + e2[:, s:s + 128]
            take = grp < colmin
            colmin = jnp.where(take, grp, colmin)
            colgid = jnp.where(take, float(g), colgid)
        tmin = jnp.min(colmin, axis=1)
        cand = jnp.where(colmin == tmin[:, None],
                         colgid * 128.0 + lane_f, float(_NE))
        tidx = jnp.min(cand, axis=1).astype(jnp.int32) + b * _CB
        tround = tmin.astype(jnp.bfloat16).astype(jnp.float32)
        if b == 0:
            accf, acci = tround, tidx
        else:
            take = tmin < accf
            accf = jnp.where(take, tround, accf)
            acci = jnp.where(take, tidx, acci)
    idx_ref[...] = acci.reshape(1, 1, _BLK)


def _sc_gather_body(table_hbm, idx_hbm, out_hbm, idx_v, rows_v, sem):
    wid = lax.axis_index("s") * _NC + lax.axis_index("c")
    base = wid * _BPW
    pltpu.sync_copy(idx_hbm.at[pl.ds(base, _BPW)], idx_v)
    pltpu.async_copy(table_hbm.at[idx_v], rows_v, sem).wait()
    pltpu.sync_copy(rows_v, out_hbm.at[pl.ds(base, _BPW)])


_QROW = 128
_sc_gather = pl.kernel(
    _sc_gather_body,
    out_type=jax.ShapeDtypeStruct((_ROWS, _QROW), jnp.float32),
    mesh=plsc.VectorSubcoreMesh(core_axis_name="c", subcore_axis_name="s"),
    scratch_types=[
        pltpu.VMEM((_BPW,), jnp.int32),
        pltpu.VMEM((_BPW, _QROW), jnp.float32),
        pltpu.SemaphoreType.DMA,
    ],
)

_EBLK = 4096


def _epilogue(f_ref, q4_ref, idx_ref, qout_ref, dsum_ref):
    i = pl.program_id(0)
    fb = f_ref[...]
    q4 = q4_ref[...]
    sel = (idx_ref[0, 0, :] & 3).reshape(_EBLK, 1)
    qb = jnp.where(
        sel == 0, q4[:, 0:32],
        jnp.where(sel == 1, q4[:, 32:64],
                  jnp.where(sel == 2, q4[:, 64:96], q4[:, 96:128])))
    qd = qb - fb
    qout_ref[...] = fb + qd
    part = jnp.sum(qd * qd).reshape(1, 1)

    @pl.when(i == 0)
    def _():
        dsum_ref[...] = jnp.zeros_like(dsum_ref)

    dsum_ref[...] += part


def kernel(z, embed):
    rows = z.shape[0] * z.shape[1]
    f = z.reshape(rows, _DIM)
    z2 = (z ** 2).sum(axis=2).reshape(rows // _BLK, 1, _BLK)
    e2 = (embed ** 2).sum(axis=0, keepdims=True)
    nblk = rows // _BLK
    idx = pl.pallas_call(
        _dist_argmin,
        grid=(nblk,),
        in_specs=[
            pl.BlockSpec((1, 1, _BLK), lambda i: (i, 0, 0)),
            pl.BlockSpec((_BLK, _DIM), lambda i: (i, 0)),
            pl.BlockSpec((_DIM, _NE), lambda i: (0, 0)),
            pl.BlockSpec((1, _NE), lambda i: (0, 0)),
        ],
        out_specs=pl.BlockSpec((1, 1, _BLK), lambda i: (i, 0, 0)),
        out_shape=jax.ShapeDtypeStruct((nblk, 1, _BLK), jnp.int32),
    )(z2, f, embed, e2)
    idx_flat = idx.reshape(rows)
    table4 = embed.T.reshape(_NE // 4, _QROW)
    q4 = _sc_gather(table4, idx_flat >> 2)
    idx3 = idx_flat.reshape(rows // _EBLK, 1, _EBLK)
    qout, dsum = pl.pallas_call(
        _epilogue,
        grid=(rows // _EBLK,),
        in_specs=[
            pl.BlockSpec((_EBLK, _DIM), lambda i: (i, 0)),
            pl.BlockSpec((_EBLK, _QROW), lambda i: (i, 0)),
            pl.BlockSpec((1, 1, _EBLK), lambda i: (i, 0, 0)),
        ],
        out_specs=[
            pl.BlockSpec((_EBLK, _DIM), lambda i: (i, 0)),
            pl.BlockSpec((1, 1), lambda i: (0, 0)),
        ],
        out_shape=[
            jax.ShapeDtypeStruct((rows, _DIM), jnp.float32),
            jax.ShapeDtypeStruct((1, 1), jnp.float32),
        ],
    )(f, q4, idx3)
    quantize = qout.reshape(z.shape)
    diff = (_COMMIT / (rows * _DIM)) * dsum[0, 0]
    embed_ind = idx_flat.reshape(z.shape[:-1])
    return (quantize, diff, embed_ind, embed)

# --- scband reference (transcript-rebuilt; emitter-appended) ---
"""Pipeline reference for scband-quantize-20091857010713 (READ-ONLY COPY).

The authoritative reference and input builder live on the scoring server;
editing this copy changes nothing except your own understanding.
"""

import jax, jax.numpy as jnp
import numpy as np

DIM = 32
N_EMBED = 8192
COMMITMENT_COST = 0.25


def setup_inputs(seed: int = 0) -> dict:
    key = jax.random.key(seed)
    k1, k2 = jax.random.split(key)
    z = jax.random.normal(k1, (8, 1024, DIM), dtype=jnp.float32)
    embed = jax.random.normal(k2, (DIM, N_EMBED), dtype=jnp.float32)
    return {"z": z, "embed": embed}


def reference(z, embed):
    flatten = z.reshape(-1, DIM)
    dist = (flatten ** 2).sum(axis=1, keepdims=True) - 2.0 * flatten @ embed + (embed ** 2).sum(axis=0, keepdims=True)
    embed_ind = jnp.argmax(-dist, axis=1)
    embed_ind_r = embed_ind.reshape(z.shape[:-1])
    quantize = jnp.take(embed.T, embed_ind_r, axis=0)
    diff = COMMITMENT_COST * jnp.mean((jax.lax.stop_gradient(quantize) - z) ** 2)
    quantize = z + jax.lax.stop_gradient(quantize - z)
    return (quantize, diff, embed_ind_r, embed)

if __name__ == "__main__":
    import jax
    _d = setup_inputs()
    print(jax.jit(kernel)(*tuple(_d.values())))

</pallas_src>

<mosaic_0001>
#map = affine_map<(d0, d1) -> (0, 0)>
#map1 = affine_map<(d0, d1) -> (0)>
module attributes {stable_mosaic.version = 14 : i64} {
  func.func @_sc_gather_body(%arg0: i32, %arg1: i32, %arg2: memref<2048x128xf32, #tpu.memory_space<hbm>>, %arg3: memref<8192xi32, #tpu.memory_space<hbm>>, %arg4: memref<8192x128xf32, #tpu.memory_space<hbm>>, %arg5: memref<256xi32, #tpu.memory_space<vmem>>, %arg6: memref<256x128xf32, #tpu.memory_space<vmem>>, %arg7: memref<!tpu.dma_semaphore, #tpu.memory_space<semaphore_mem>>) attributes {dimension_semantics = [#tpu.dimension_semantics<core_parallel>, #tpu.dimension_semantics<subcore_parallel>], iteration_bounds = array<i64: 2, 16>, scalar_prefetch = 0 : i64, scratch_operands = 3 : i64, tpu.core_type = #tpu.core_type<sc_vector_subcore>, window_params = [{transform_indices = #map}, {transform_indices = #map1}, {transform_indices = #map}]} {
    %mul3A = arith.constant 2 : i32
    %mul3A_0 = arith.muli %arg1, %mul3A : i32
    %add3A = arith.addi %mul3A_0, %arg0 : i32
    %mul3A_1 = arith.constant 256 : i32
    %mul3A_2 = arith.muli %add3A, %mul3A_1 : i32
    "tpu.region"() ({
      %run_scoped3A = tpu.sem_alloc : memref<!tpu.dma_semaphore, #tpu.memory_space<semaphore_mem>>
      %dma_start3A_7 = tpu.memref_slice %arg3[%mul3A_2] : memref<8192xi32, #tpu.memory_space<hbm>> -> memref<256xi32, #tpu.memory_space<hbm>>
      %dma_start3A_8 = tpu.memref_slice %arg3[%mul3A_2] : memref<8192xi32, #tpu.memory_space<hbm>> -> memref<256xi32, #tpu.memory_space<hbm>>
      tpu.enqueue_dma source(%dma_start3A_8 : memref<256xi32, #tpu.memory_space<hbm>>) target(%arg5 : memref<256xi32, #tpu.memory_space<vmem>>) target_semaphore(%run_scoped3A : memref<!tpu.dma_semaphore, #tpu.memory_space<semaphore_mem>>)
      %dma_wait3A_9 = tpu.memref_slice %arg3[%mul3A_2] : memref<8192xi32, #tpu.memory_space<hbm>> -> memref<256xi32, #tpu.memory_space<hbm>>
      %dma_wait3A_10 = tpu.memref_slice %arg3[%mul3A_2] : memref<8192xi32, #tpu.memory_space<hbm>> -> memref<256xi32, #tpu.memory_space<hbm>>
      tpu.wait_dma2 semaphore(%run_scoped3A : memref<!tpu.dma_semaphore, #tpu.memory_space<semaphore_mem>>) src(%dma_wait3A_10 : memref<256xi32, #tpu.memory_space<hbm>>) dst(%arg5 : memref<256xi32, #tpu.memory_space<vmem>>)
      tpu.yield
    }) : () -> ()
    %dma_start3A = arith.constant 0 : i32
    %dma_start3A_3 = arith.constant 0 : i32
    %dma_start3A_4 = tpu.memref_slice %arg2[%dma_start3A, %dma_start3A_3] : memref<2048x128xf32, #tpu.memory_space<hbm>> -> memref<2048x128xf32, #tpu.memory_space<hbm>>
    tpu.enqueue_indirect_dma source(%dma_start3A_4 : memref<2048x128xf32, #tpu.memory_space<hbm>>) target(%arg6 : memref<256x128xf32, #tpu.memory_space<vmem>>) offsets(%arg5 : memref<256xi32, #tpu.memory_space<vmem>>) semaphore(%arg7 : memref<!tpu.dma_semaphore, #tpu.memory_space<semaphore_mem>>)
    %dma_wait3A = arith.constant 0 : i32
    %dma_wait3A_5 = arith.constant 0 : i32
    %dma_wait3A_6 = tpu.memref_slice %arg2[%dma_wait3A, %dma_wait3A_5] : memref<2048x128xf32, #tpu.memory_space<hbm>> -> memref<2048x128xf32, #tpu.memory_space<hbm>>
    tpu.wait_indirect_dma semaphore(%arg7 : memref<!tpu.dma_semaphore, #tpu.memory_space<semaphore_mem>>) src(%dma_wait3A_6 : memref<2048x128xf32, #tpu.memory_space<hbm>>) dst(%arg6 : memref<256x128xf32, #tpu.memory_space<vmem>>)
    "tpu.region"() ({
      %run_scoped3A = tpu.sem_alloc : memref<!tpu.dma_semaphore, #tpu.memory_space<semaphore_mem>>
      %dma_start3A_7 = arith.constant 0 : i32
      %dma_start3A_8 = tpu.memref_slice %arg4[%mul3A_2, %dma_start3A_7] : memref<8192x128xf32, #tpu.memory_space<hbm>> -> memref<256x128xf32, #tpu.memory_space<hbm>>
      %dma_start3A_9 = arith.constant 0 : i32
      %dma_start3A_10 = tpu.memref_slice %arg4[%mul3A_2, %dma_start3A_9] : memref<8192x128xf32, #tpu.memory_space<hbm>> -> memref<256x128xf32, #tpu.memory_space<hbm>>
      tpu.enqueue_dma source(%arg6 : memref<256x128xf32, #tpu.memory_space<vmem>>) target(%dma_start3A_10 : memref<256x128xf32, #tpu.memory_space<hbm>>) target_semaphore(%run_scoped3A : memref<!tpu.dma_semaphore, #tpu.memory_space<semaphore_mem>>)
      %dma_wait3A_11 = arith.constant 0 : i32
      %dma_wait3A_12 = tpu.memref_slice %arg4[%mul3A_2, %dma_wait3A_11] : memref<8192x128xf32, #tpu.memory_space<hbm>> -> memref<256x128xf32, #tpu.memory_space<hbm>>
      %dma_wait3A_13 = arith.constant 0 : i32
      %dma_wait3A_14 = tpu.memref_slice %arg4[%mul3A_2, %dma_wait3A_13] : memref<8192x128xf32, #tpu.memory_space<hbm>> -> memref<256x128xf32, #tpu.memory_space<hbm>>
      tpu.wait_dma2 semaphore(%run_scoped3A : memref<!tpu.dma_semaphore, #tpu.memory_space<semaphore_mem>>) src(%arg6 : memref<256x128xf32, #tpu.memory_space<vmem>>) dst(%dma_wait3A_14 : memref<256x128xf32, #tpu.memory_space<hbm>>)
      tpu.yield
    }) : () -> ()
    return
  }
}

module attributes {stable_mosaic.version = 14 : i64} {
  func.func @_dist_argmin(%arg0: i32, %arg1: memref<1x1x1024xf32, #tpu.memory_space<vmem>>, %arg2: memref<1024x32xf32, #tpu.memory_space<vmem>>, %arg3: memref<32x8192xf32, #tpu.memory_space<vmem>>, %arg4: memref<1x8192xf32, #tpu.memory_space<vmem>>, %arg5: memref<1x1x1024xi32, #tpu.memory_space<vmem>>) attributes {dimension_semantics = [#tpu.dimension_semantics<arbitrary>], iteration_bounds = array<i64: 8>, scalar_prefetch = 0 : i64, scratch_operands = 0 : i64, tpu.core_type = #tpu.core_type<tc>, window_params = [{transform_indices = @transform_0, window_bounds = array<i64: 1, 1, 1024>}, {transform_indices = @transform_1, window_bounds = array<i64: 1024, 32>}, {pipeline_mode = #tpu.pipeline_mode<synchronous>, transform_indices = @transform_2, window_bounds = array<i64: 32, 8192>}, {pipeline_mode = #tpu.pipeline_mode<synchronous>, transform_indices = @transform_3, window_bounds = array<i64: 1, 8192>}, {transform_indices = @transform_4, window_bounds = array<i64: 1, 1, 1024>}]} {
    %get3A = arith.constant 0 : index
    %get3A_0 = arith.constant 0 : index
    %get3A_1 = vector.load %arg2[%get3A, %get3A_0] : memref<1024x32xf32, #tpu.memory_space<vmem>>, vector<1024x32xf32>
    %get3A_2 = arith.constant 0 : index
    %get3A_3 = arith.constant 0 : index
    %get3A_4 = vector.load %arg3[%get3A_2, %get3A_3] : memref<32x8192xf32, #tpu.memory_space<vmem>>, vector<32x8192xf32>
    %get3A_5 = arith.constant 0 : index
    %get3A_6 = arith.constant 0 : index
    %get3A_7 = arith.constant 0 : index
    %get3A_8 = vector.load %arg1[%get3A_5, %get3A_6, %get3A_7] : memref<1x1x1024xf32, #tpu.memory_space<vmem>>, vector<1x1x1024xf32>
    %get3A_9 = vector.shape_cast %get3A_8 : vector<1x1x1024xf32> to vector<1024xf32>
    %reshape3A = vector.shape_cast %get3A_9 : vector<1024xf32> to vector<1024x1xf32>
    %get3A_10 = arith.constant 0 : index
    %get3A_11 = arith.constant 0 : index
    %get3A_12 = vector.load %arg4[%get3A_10, %get3A_11] : memref<1x8192xf32, #tpu.memory_space<vmem>>, vector<1x8192xf32>
    %mul3A = arith.constant 2.000000e+00 : f32
    %mul3A_13 = vector.broadcast %mul3A : f32 to vector<1024x32xf32>
    %mul3A_14 = arith.mulf %mul3A_13, %get3A_1 : vector<1024x32xf32>
    %convert_element_type3A = arith.truncf %mul3A_14 : vector<1024x32xf32> to vector<1024x32xbf16>
    %convert_element_type3A_15 = arith.truncf %get3A_4 : vector<32x8192xf32> to vector<32x8192xbf16>
    %dot_general3A = arith.constant dense<0.000000e+00> : vector<1024x8192xf32>
    %dot_general3A_16 = tpu.matmul %convert_element_type3A, %convert_element_type3A_15, %dot_general3A {dimension_numbers = #tpu.dot_dimension_numbers<[1], [0], [0], [1], [0, 0, 1, 1], [], []>, transpose_lhs_hint = false} : vector<1024x32xbf16>, vector<32x8192xbf16>, vector<1024x8192xf32> -> vector<1024x8192xf32>
    %iota3A = tpu.iota {dimensions = array<i32: 1>} : vector<1024x128xi32>
    %convert_element_type3A_17 = arith.sitofp %iota3A : vector<1024x128xi32> to vector<1024x128xf32>
    %slice3A = vector.extract_strided_slice %dot_general3A_16 {offsets = [0, 0], sizes = [1024, 128], strides = [1, 1]} : vector<1024x8192xf32> to vector<1024x128xf32>
    %sub3A = vector.broadcast %reshape3A : vector<1024x1xf32> to vector<1024x128xf32>
    %sub3A_18 = arith.subf %sub3A, %slice3A : vector<1024x128xf32>
    %slice3A_19 = vector.extract_strided_slice %get3A_12 {offsets = [0, 0], sizes = [1, 128], strides = [1, 1]} : vector<1x8192xf32> to vector<1x128xf32>
    %add3A = vector.broadcast %slice3A_19 : vector<1x128xf32> to vector<1024x128xf32>
    %add3A_20 = arith.addf %sub3A_18, %add3A : vector<1024x128xf32>
    %broadcast_in_dim3A = arith.constant 0.000000e+00 : f32
    %broadcast_in_dim3A_21 = vector.broadcast %broadcast_in_dim3A : f32 to vector<1024x128xf32>
    %slice3A_22 = vector.extract_strided_slice %dot_general3A_16 {offsets = [0, 128], sizes = [1024, 128], strides = [1, 1]} : vector<1024x8192xf32> to vector<1024x128xf32>
    %sub3A_23 = vector.broadcast %reshape3A : vector<1024x1xf32> to vector<1024x128xf32>
    %sub3A_24 = arith.subf %sub3A_23, %slice3A_22 : vector<1024x128xf32>
    %slice3A_25 = vector.extract_strided_slice %get3A_12 {offsets = [0, 128], sizes = [1, 128], strides = [1, 1]} : vector<1x8192xf32> to vector<1x128xf32>
    %add3A_26 = vector.broadcast %slice3A_25 : vector<1x128xf32> to vector<1024x128xf32>
    %add3A_27 = arith.addf %sub3A_24, %add3A_26 : vector<1024x128xf32>
    %lt3A = arith.cmpf olt, %add3A_27, %add3A_20 : vector<1024x128xf32>
    %select_n3A = arith.select %lt3A, %add3A_27, %add3A_20 : vector<1024x128xi1>, vector<1024x128xf32>
    %jit3A = arith.constant 1.000000e+00 : f32
    %broadcast_in_dim3A_28 = vector.broadcast %jit3A : f32 to vector<1024x128xf32>
    %select_n3A_29 = arith.select %lt3A, %broadcast_in_dim3A_28, %broadcast_in_dim3A_21 : vector<1024x128xi1>, vector<1024x128xf32>
    %slice3A_30 = vector.extract_strided_slice %dot_general3A_16 {offsets = [0, 256], sizes = [1024, 128], strides = [1, 1]} : vector<1024x8192xf32> to vector<1024x128xf32>
    %sub3A_31 = vector.broadcast %reshape3A : vector<1024x1xf32> to vector<1024x128xf32>
    %sub3A_32 = arith.subf %sub3A_31, %slice3A_30 : vector<1024x128xf32>
    %slice3A_33 = vector.extract_strided_slice %get3A_12 {offsets = [0, 256], sizes = [1, 128], strides = [1, 1]} : vector<1x8192xf32> to vector<1x128xf32>
    %add3A_34 = vector.broadcast %slice3A_33 : vector<1x128xf32> to vector<1024x128xf32>
    %add3A_35 = arith.addf %sub3A_32, %add3A_34 : vector<1024x128xf32>
    %lt3A_36 = arith.cmpf olt, %add3A_35, %select_n3A : vector<1024x128xf32>
    %select_n3A_37 = arith.select %lt3A_36, %add3A_35, %select_n3A : vector<1024x128xi1>, vector<1024x128xf32>
    %jit3A_38 = arith.constant 2.000000e+00 : f32
    %broadcast_in_dim3A_39 = vector.broadcast %jit3A_38 : f32 to vector<1024x128xf32>
    %select_n3A_40 = arith.select %lt3A_36, %broadcast_in_dim3A_39, %select_n3A_29 : vector<1024x128xi1>, vector<1024x128xf32>
    %slice3A_41 = vector.extract_strided_slice %dot_general3A_16 {offsets = [0, 384], sizes = [1024, 128], strides = [1, 1]} : vector<1024x8192xf32> to vector<1024x128xf32>
    %sub3A_42 = vector.broadcast %reshape3A : vector<1024x1xf32> to vector<1024x128xf32>
    %sub3A_43 = arith.subf %sub3A_42, %slice3A_41 : vector<1024x128xf32>
    %slice3A_44 = vector.extract_strided_slice %get3A_12 {offsets = [0, 384], sizes = [1, 128], strides = [1, 1]} : vector<1x8192xf32> to vector<1x128xf32>
    %add3A_45 = vector.broadcast %slice3A_44 : vector<1x128xf32> to vector<1024x128xf32>
    %add3A_46 = arith.addf %sub3A_43, %add3A_45 : vector<1024x128xf32>
    %lt3A_47 = arith.cmpf olt, %add3A_46, %select_n3A_37 : vector<1024x128xf32>
    %select_n3A_48 = arith.select %lt3A_47, %add3A_46, %select_n3A_37 : vector<1024x128xi1>, vector<1024x128xf32>
    %jit3A_49 = arith.constant 3.000000e+00 : f32
    %broadcast_in_dim3A_50 = vector.broadcast %jit3A_49 : f32 to vector<1024x128xf32>
    %select_n3A_51 = arith.select %lt3A_47, %broadcast_in_dim3A_50, %select_n3A_40 : vector<1024x128xi1>, vector<1024x128xf32>
    %slice3A_52 = vector.extract_strided_slice %dot_general3A_16 {offsets = [0, 512], sizes = [1024, 128], strides = [1, 1]} : vector<1024x8192xf32> to vector<1024x128xf32>
    %sub3A_53 = vector.broadcast %reshape3A : vector<1024x1xf32> to vector<1024x128xf32>
    %sub3A_54 = arith.subf %sub3A_53, %slice3A_52 : vector<1024x128xf32>
    %slice3A_55 = vector.extract_strided_slice %get3A_12 {offsets = [0, 512], sizes = [1, 128], strides = [1, 1]} : vector<1x8192xf32> to vector<1x128xf32>
    %add3A_56 = vector.broadcast %slice3A_55 : vector<1x128xf32> to vector<1024x128xf32>
    %add3A_57 = arith.addf %sub3A_54, %add3A_56 : vector<1024x128xf32>
    %lt3A_58 = arith.cmpf olt, %add3A_57, %select_n3A_48 : vector<1024x128xf32>
    %select_n3A_59 = arith.select %lt3A_58, %add3A_57, %select_n3A_48 : vector<1024x128xi1>, vector<1024x128xf32>
    %jit3A_60 = arith.constant 4.000000e+00 : f32
    %broadcast_in_dim3A_61 = vector.broadcast %jit3A_60 : f32 to vector<1024x128xf32>
    %select_n3A_62 = arith.select %lt3A_58, %broadcast_in_dim3A_61, %select_n3A_51 : vector<1024x128xi1>, vector<1024x128xf32>
    %slice3A_63 = vector.extract_strided_slice %dot_general3A_16 {offsets = [0, 640], sizes = [1024, 128], strides = [1, 1]} : vector<1024x8192xf32> to vector<1024x128xf32>
    %sub3A_64 = vector.broadcast %reshape3A : vector<1024x1xf32> to vector<1024x128xf32>
    %sub3A_65 = arith.subf %sub3A_64, %slice3A_63 : vector<1024x128xf32>
    %slice3A_66 = vector.extract_strided_slice %get3A_12 {offsets = [0, 640], sizes = [1, 128], strides = [1, 1]} : vector<1x8192xf32> to vector<1x128xf32>
    %add3A_67 = vector.broadcast %slice3A_66 : vector<1x128xf32> to vector<1024x128xf32>
    %add3A_68 = arith.addf %sub3A_65, %add3A_67 : vector<1024x128xf32>
    %lt3A_69 = arith.cmpf olt, %add3A_68, %select_n3A_59 : vector<1024x128xf32>
    %select_n3A_70 = arith.select %lt3A_69, %add3A_68, %select_n3A_59 : vector<1024x128xi1>, vector<1024x128xf32>
    %jit3A_71 = arith.constant 5.000000e+00 : f32
    %broadcast_in_dim3A_72 = vector.broadcast %jit3A_71 : f32 to vector<1024x128xf32>
    %select_n3A_73 = arith.select %lt3A_69, %broadcast_in_dim3A_72, %select_n3A_62 : vector<1024x128xi1>, vector<1024x128xf32>
    %slice3A_74 = vector.extract_strided_slice %dot_general3A_16 {offsets = [0, 768], sizes = [1024, 128], strides = [1, 1]} : vector<1024x8192xf32> to vector<1024x128xf32>
    %sub3A_75 = vector.broadcast %reshape3A : vector<1024x1xf32> to vector<1024x128xf32>
    %sub3A_76 = arith.subf %sub3A_75, %slice3A_74 : vector<1024x128xf32>
    %slice3A_77 = vector.extract_strided_slice %get3A_12 {offsets = [0, 768], sizes = [1, 128], strides = [1, 1]} : vector<1x8192xf32> to vector<1x128xf32>
    %add3A_78 = vector.broadcast %slice3A_77 : vector<1x128xf32> to vector<1024x128xf32>
    %add3A_79 = arith.addf %sub3A_76, %add3A_78 : vector<1024x128xf32>
    %lt3A_80 = arith.cmpf olt, %add3A_79, %select_n3A_70 : vector<1024x128xf32>
    %select_n3A_81 = arith.select %lt3A_80, %add3A_79, %select_n3A_70 : vector<1024x128xi1>, vector<1024x128xf32>
    %jit3A_82 = arith.constant 6.000000e+00 : f32
    %broadcast_in_dim3A_83 = vector.broadcast %jit3A_82 : f32 to vector<1024x128xf32>
    %select_n3A_84 = arith.select %lt3A_80, %broadcast_in_dim3A_83, %select_n3A_73 : vector<1024x128xi1>, vector<1024x128xf32>
    %slice3A_85 = vector.extract_strided_slice %dot_general3A_16 {offsets = [0, 896], sizes = [1024, 128], strides = [1, 1]} : vector<1024x8192xf32> to vector<1024x128xf32>
    %sub3A_86 = vector.broadcast %reshape3A : vector<1024x1xf32> to vector<1024x128xf32>
    %sub3A_87 = arith.subf %sub3A_86, %slice3A_85 : vector<1024x128xf32>
    %slice3A_88 = vector.extract_strided_slice %get3A_12 {offsets = [0, 896], sizes = [1, 128], strides = [1, 1]} : vector<1x8192xf32> to vector<1x128xf32>
    %add3A_89 = vector.broadcast %slice3A_88 : vector<1x128xf32> to vector<1024x128xf32>
    %add3A_90 = arith.addf %sub3A_87, %add3A_89 : vector<1024x128xf32>
    %lt3A_91 = arith.cmpf olt, %add3A_90, %select_n3A_81 : vector<1024x128xf32>
    %select_n3A_92 = arith.select %lt3A_91, %add3A_90, %select_n3A_81 : vector<1024x128xi1>, vector<1024x128xf32>
    %jit3A_93 = arith.constant 7.000000e+00 : f32
    %broadcast_in_dim3A_94 = vector.broadcast %jit3A_93 : f32 to vector<1024x128xf32>
    %select_n3A_95 = arith.select %lt3A_91, %broadcast_in_dim3A_94, %select_n3A_84 : vector<1024x128xi1>, vector<1024x128xf32>
    %slice3A_96 = vector.extract_strided_slice %dot_general3A_16 {offsets = [0, 1024], sizes = [1024, 128], strides = [1, 1]} : vector<1024x8192xf32> to vector<1024x128xf32>
    %sub3A_97 = vector.broadcast %reshape3A : vector<1024x1xf32> to vector<1024x128xf32>
    %sub3A_98 = arith.subf %sub3A_97, %slice3A_96 : vector<1024x128xf32>
    %slice3A_99 = vector.extract_strided_slice %get3A_12 {offsets = [0, 1024], sizes = [1, 128], strides = [1, 1]} : vector<1x8192xf32> to vector<1x128xf32>
    %add3A_100 = vector.broadcast %slice3A_99 : vector<1x128xf32> to vector<1024x128xf32>
    %add3A_101 = arith.addf %sub3A_98, %add3A_100 : vector<1024x128xf32>
    %lt3A_102 = arith.cmpf olt, %add3A_101, %select_n3A_92 : vector<1024x128xf32>
    %select_n3A_103 = arith.select %lt3A_102, %add3A_101, %select_n3A_92 : vector<1024x128xi1>, vector<1024x128xf32>
    %jit3A_104 = arith.constant 8.000000e+00 : f32
    %broadcast_in_dim3A_105 = vector.broadcast %jit3A_104 : f32 to vector<1024x128xf32>
    %select_n3A_106 = arith.select %lt3A_102, %broadcast_in_dim3A_105, %select_n3A_95 : vector<1024x128xi1>, vector<1024x128xf32>
    %slice3A_107 = vector.extract_strided_slice %dot_general3A_16 {offsets = [0, 1152], sizes = [1024, 128], strides = [1, 1]} : vector<1024x8192xf32> to vector<1024x128xf32>
    %sub3A_108 = vector.broadcast %reshape3A : vector<1024x1xf32> to vector<1024x128xf32>
    %sub3A_109 = arith.subf %sub3A_108, %slice3A_107 : vector<1024x128xf32>
    %slice3A_110 = vector.extract_strided_slice %get3A_12 {offsets = [0, 1152], sizes = [1, 128], strides = [1, 1]} : vector<1x8192xf32> to vector<1x128xf32>
    %add3A_111 = vector.broadcast %slice3A_110 : vector<1x128xf32> to vector<1024x128xf32>
    %add3A_112 = arith.addf %sub3A_109, %add3A_111 : vector<1024x128xf32>
    %lt3A_113 = arith.cmpf olt, %add3A_112, %select_n3A_103 : vector<1024x128xf32>
    %select_n3A_114 = arith.select %lt3A_113, %add3A_112, %select_n3A_103 : vector<1024x128xi1>, vector<1024x128xf32>
    %jit3A_115 = arith.constant 9.000000e+00 : f32
    %broadcast_in_dim3A_116 = vector.broadcast %jit3A_115 : f32 to vector<1024x128xf32>
    %select_n3A_117 = arith.select %lt3A_113, %broadcast_in_dim3A_116, %select_n3A_106 : vector<1024x128xi1>, vector<1024x128xf32>
    %slice3A_118 = vector.extract_strided_slice %dot_general3A_16 {offsets = [0, 1280], sizes = [1024, 128], strides = [1, 1]} : vector<1024x8192xf32> to vector<1024x128xf32>
    %sub3A_119 = vector.broadcast %reshape3A : vector<1024x1xf32> to vector<1024x128xf32>
    %sub3A_120 = arith.subf %sub3A_119, %slice3A_118 : vector<1024x128xf32>
    %slice3A_121 = vector.extract_strided_slice %get3A_12 {offsets = [0, 1280], sizes = [1, 128], strides = [1, 1]} : vector<1x8192xf32> to vector<1x128xf32>
    %add3A_122 = vector.broadcast %slice3A_121 : vector<1x128xf32> to vector<1024x128xf32>
    %add3A_123 = arith.addf %sub3A_120, %add3A_122 : vector<1024x128xf32>
    %lt3A_124 = arith.cmpf olt, %add3A_123, %select_n3A_114 : vector<1024x128xf32>
    %select_n3A_125 = arith.select %lt3A_124, %add3A_123, %select_n3A_114 : vector<1024x128xi1>, vector<1024x128xf32>
    %jit3A_126 = arith.constant 1.000000e+01 : f32
    %broadcast_in_dim3A_127 = vector.broadcast %jit3A_126 : f32 to vector<1024x128xf32>
    %select_n3A_128 = arith.select %lt3A_124, %broadcast_in_dim3A_127, %select_n3A_117 : vector<1024x128xi1>, vector<1024x128xf32>
    %slice3A_129 = vector.extract_strided_slice %dot_general3A_16 {offsets = [0, 1408], sizes = [1024, 128], strides = [1, 1]} : vector<1024x8192xf32> to vector<1024x128xf32>
    %sub3A_130 = vector.broadcast %reshape3A : vector<1024x1xf32> to vector<1024x128xf32>
    %sub3A_131 = arith.subf %sub3A_130, %slice3A_129 : vector<1024x128xf32>
    %slice3A_132 = vector.extract_strided_slice %get3A_12 {offsets = [0, 1408], sizes = [1, 128], strides = [1, 1]} : vector<1x8192xf32> to vector<1x128xf32>
    %add3A_133 = vector.broadcast %slice3A_132 : vector<1x128xf32> to vector<1024x128xf32>
    %add3A_134 = arith.addf %sub3A_131, %add3A_133 : vector<1024x128xf32>
    %lt3A_135 = arith.cmpf olt, %add3A_134, %select_n3A_125 : vector<1024x128xf32>
    %select_n3A_136 = arith.select %lt3A_135, %add3A_134, %select_n3A_125 : vector<1024x128xi1>, vector<1024x128xf32>
    %jit3A_137 = arith.constant 1.100000e+01 : f32
    %broadcast_in_dim3A_138 = vector.broadcast %jit3A_137 : f32 to vector<1024x128xf32>
    %select_n3A_139 = arith.select %lt3A_135, %broadcast_in_dim3A_138, %select_n3A_128 : vector<1024x128xi1>, vector<1024x128xf32>
    %slice3A_140 = vector.extract_strided_slice %dot_general3A_16 {offsets = [0, 1536], sizes = [1024, 128], strides = [1, 1]} : vector<1024x8192xf32> to vector<1024x128xf32>
    %sub3A_141 = vector.broadcast %reshape3A : vector<1024x1xf32> to vector<1024x128xf32>
    %sub3A_142 = arith.subf %sub3A_141, %slice3A_140 : vector<1024x128xf32>
    %slice3A_143 = vector.extract_strided_slice %get3A_12 {offsets = [0, 1536], sizes = [1, 128], strides = [1, 1]} : vector<1x8192xf32> to vector<1x128xf32>
    %add3A_144 = vector.broadcast %slice3A_143 : vector<1x128xf32> to vector<1024x128xf32>
    %add3A_145 = arith.addf %sub3A_142, %add3A_144 : vector<1024x128xf32>
    %lt3A_146 = arith.cmpf olt, %add3A_145, %select_n3A_136 : vector<1024x128xf32>
    %select_n3A_147 = arith.select %lt3A_146, %add3A_145, %select_n3A_136 : vector<1024x128xi1>, vector<1024x128xf32>
    %jit3A_148 = arith.constant 1.200000e+01 : f32
    %broadcast_in_dim3A_149 = vector.broadcast %jit3A_148 : f32 to vector<1024x128xf32>
    %select_n3A_150 = arith.select %lt3A_146, %broadcast_in_dim3A_149, %select_n3A_139 : vector<1024x128xi1>, vector<1024x128xf32>
    %slice3A_151 = vector.extract_strided_slice %dot_general3A_16 {offsets = [0, 1664], sizes = [1024, 128], strides = [1, 1]} : vector<1024x8192xf32> to vector<1024x128xf32>
    %sub3A_152 = vector.broadcast %reshape3A : vector<1024x1xf32> to vector<1024x128xf32>
    %sub3A_153 = arith.subf %sub3A_152, %slice3A_151 : vector<1024x128xf32>
    %slice3A_154 = vector.extract_strided_slice %get3A_12 {offsets = [0, 1664], sizes = [1, 128], strides = [1, 1]} : vector<1x8192xf32> to vector<1x128xf32>
    %add3A_155 = vector.broadcast %slice3A_154 : vector<1x128xf32> to vector<1024x128xf32>
    %add3A_156 = arith.addf %sub3A_153, %add3A_155 : vector<1024x128xf32>
    %lt3A_157 = arith.cmpf olt, %add3A_156, %select_n3A_147 : vector<1024x128xf32>
    %select_n3A_158 = arith.select %lt3A_157, %add3A_156, %select_n3A_147 : vector<1024x128xi1>, vector<1024x128xf32>
    %jit3A_159 = arith.constant 1.300000e+01 : f32
    %broadcast_in_dim3A_160 = vector.broadcast %jit3A_159 : f32 to vector<1024x128xf32>
    %select_n3A_161 = arith.select %lt3A_157, %broadcast_in_dim3A_160, %select_n3A_150 : vector<1024x128xi1>, vector<1024x128xf32>
    %slice3A_162 = vector.extract_strided_slice %dot_general3A_16 {offsets = [0, 1792], sizes = [1024, 128], strides = [1, 1]} : vector<1024x8192xf32> to vector<1024x128xf32>
    %sub3A_163 = vector.broadcast %reshape3A : vector<1024x1xf32> to vector<1024x128xf32>
    %sub3A_164 = arith.subf %sub3A_163, %slice3A_162 : vector<1024x128xf32>
    %slice3A_165 = vector.extract_strided_slice %get3A_12 {offsets = [0, 1792], sizes = [1, 128], strides = [1, 1]} : vector<1x8192xf32> to vector<1x128xf32>
    %add3A_166 = vector.broadcast %slice3A_165 : vector<1x128xf32> to vector<1024x128xf32>
    %add3A_167 = arith.addf %sub3A_164, %add3A_166 : vector<1024x128xf32>
    %lt3A_168 = arith.cmpf olt, %add3A_167, %select_n3A_158 : vector<1024x128xf32>
    %select_n3A_169 = arith.select %lt3A_168, %add3A_167, %select_n3A_158 : vector<1024x128xi1>, vector<1024x128xf32>
    %jit3A_170 = arith.constant 1.400000e+01 : f32
    %broadcast_in_dim3A_171 = vector.broadcast %jit3A_170 : f32 to vector<1024x128xf32>
    %select_n3A_172 = arith.select %lt3A_168, %broadcast_in_dim3A_171, %select_n3A_161 : vector<1024x128xi1>, vector<1024x128xf32>
    %slice3A_173 = vector.extract_strided_slice %dot_general3A_16 {offsets = [0, 1920], sizes = [1024, 128], strides = [1, 1]} : vector<1024x8192xf32> to vector<1024x128xf32>
    %sub3A_174 = vector.broadcast %reshape3A : vector<1024x1xf32> to vector<1024x128xf32>
    %sub3A_175 = arith.subf %sub3A_174, %slice3A_173 : vector<1024x128xf32>
    %slice3A_176 = vector.extract_strided_slice %get3A_12 {offsets = [0, 1920], sizes = [1, 128], strides = [1, 1]} : vector<1x8192xf32> to vector<1x128xf32>
    %add3A_177 = vector.broadcast %slice3A_176 : vector<1x128xf32> to vector<1024x128xf32>
    %add3A_178 = arith.addf %sub3A_175, %add3A_177 : vector<1024x128xf32>
    %lt3A_179 = arith.cmpf olt, %add3A_178, %select_n3A_169 : vector<1024x128xf32>
    %select_n3A_180 = arith.select %lt3A_179, %add3A_178, %select_n3A_169 : vector<1024x128xi1>, vector<1024x128xf32>
    %jit3A_181 = arith.constant 1.500000e+01 : f32
    %broadcast_in_dim3A_182 = vector.broadcast %jit3A_181 : f32 to vector<1024x128xf32>
    %select_n3A_183 = arith.select %lt3A_179, %broadcast_in_dim3A_182, %select_n3A_172 : vector<1024x128xi1>, vector<1024x128xf32>
    %reduce_min3A = arith.constant dense<0x7F800000> : vector<1024xf32>
    %reduce_min3A_184 = vector.multi_reduction <minimumf>, %select_n3A_180, %reduce_min3A [1] : vector<1024x128xf32> to vector<1024xf32>
    %broadcast_in_dim3A_185 = vector.shape_cast %reduce_min3A_184 : vector<1024xf32> to vector<1024x1xf32>
    %eq3A = vector.broadcast %broadcast_in_dim3A_185 : vector<1024x1xf32> to vector<1024x128xf32>
    %eq3A_186 = arith.cmpf oeq, %select_n3A_180, %eq3A : vector<1024x128xf32>
    %mul3A_187 = arith.constant 1.280000e+02 : f32
    %mul3A_188 = vector.broadcast %mul3A_187 : f32 to vector<1024x128xf32>
    %mul3A_189 = arith.mulf %select_n3A_183, %mul3A_188 : vector<1024x128xf32>
    %add3A_190 = arith.addf %mul3A_189, %convert_element_type3A_17 : vector<1024x128xf32>
    %jit3A_191 = arith.constant 8.192000e+03 : f32
    %broadcast_in_dim3A_192 = vector.broadcast %jit3A_191 : f32 to vector<1024x128xf32>
    %select_n3A_193 = arith.select %eq3A_186, %add3A_190, %broadcast_in_dim3A_192 : vector<1024x128xi1>, vector<1024x128xf32>
    %reduce_min3A_194 = arith.constant dense<0x7F800000> : vector<1024xf32>
    %reduce_min3A_195 = vector.multi_reduction <minimumf>, %select_n3A_193, %reduce_min3A_194 [1] : vector<1024x128xf32> to vector<1024xf32>
    %convert_element_type3A_196 = arith.fptosi %reduce_min3A_195 : vector<1024xf32> to vector<1024xi32>
    %add3A_197 = arith.constant 0 : i32
    %add3A_198 = vector.broadcast %add3A_197 : i32 to vector<1024xi32>
    %add3A_199 = arith.addi %convert_element_type3A_196, %add3A_198 : vector<1024xi32>
    %convert_element_type3A_200 = arith.truncf %reduce_min3A_184 : vector<1024xf32> to vector<1024xbf16>
    %convert_element_type3A_201 = arith.extf %convert_element_type3A_200 : vector<1024xbf16> to vector<1024xf32>
    %slice3A_202 = vector.extract_strided_slice %dot_general3A_16 {offsets = [0, 2048], sizes = [1024, 128], strides = [1, 1]} : vector<1024x8192xf32> to vector<1024x128xf32>
    %sub3A_203 = vector.broadcast %reshape3A : vector<1024x1xf32> to vector<1024x128xf32>
    %sub3A_204 = arith.subf %sub3A_203, %slice3A_202 : vector<1024x128xf32>
    %slice3A_205 = vector.extract_strided_slice %get3A_12 {offsets = [0, 2048], sizes = [1, 128], strides = [1, 1]} : vector<1x8192xf32> to vector<1x128xf32>
    %add3A_206 = vector.broadcast %slice3A_205 : vector<1x128xf32> to vector<1024x128xf32>
    %add3A_207 = arith.addf %sub3A_204, %add3A_206 : vector<1024x128xf32>
    %broadcast_in_dim3A_208 = arith.constant 0.000000e+00 : f32
    %broadcast_in_dim3A_209 = vector.broadcast %broadcast_in_dim3A_208 : f32 to vector<1024x128xf32>
    %slice3A_210 = vector.extract_strided_slice %dot_general3A_16 {offsets = [0, 2176], sizes = [1024, 128], strides = [1, 1]} : vector<1024x8192xf32> to vector<1024x128xf32>
    %sub3A_211 = vector.broadcast %reshape3A : vector<1024x1xf32> to vector<1024x128xf32>
    %sub3A_212 = arith.subf %sub3A_211, %slice3A_210 : vector<1024x128xf32>
    %slice3A_213 = vector.extract_strided_slice %get3A_12 {offsets = [0, 2176], sizes = [1, 128], strides = [1, 1]} : vector<1x8192xf32> to vector<1x128xf32>
    %add3A_214 = vector.broadcast %slice3A_213 : vector<1x128xf32> to vector<1024x128xf32>
    %add3A_215 = arith.addf %sub3A_212, %add3A_214 : vector<1024x128xf32>
    %lt3A_216 = arith.cmpf olt, %add3A_215, %add3A_207 : vector<1024x128xf32>
    %select_n3A_217 = arith.select %lt3A_216, %add3A_215, %add3A_207 : vector<1024x128xi1>, vector<1024x128xf32>
    %jit3A_218 = arith.constant 1.000000e+00 : f32
    %broadcast_in_dim3A_219 = vector.broadcast %jit3A_218 : f32 to vector<1024x128xf32>
    %select_n3A_220 = arith.select %lt3A_216, %broadcast_in_dim3A_219, %broadcast_in_dim3A_209 : vector<1024x128xi1>, vector<1024x128xf32>
    %slice3A_221 = vector.extract_strided_slice %dot_general3A_16 {offsets = [0, 2304], sizes = [1024, 128], strides = [1, 1]} : vector<1024x8192xf32> to vector<1024x128xf32>
    %sub3A_222 = vector.broadcast %reshape3A : vector<1024x1xf32> to vector<1024x128xf32>
    %sub3A_223 = arith.subf %sub3A_222, %slice3A_221 : vector<1024x128xf32>
    %slice3A_224 = vector.extract_strided_slice %get3A_12 {offsets = [0, 2304], sizes = [1, 128], strides = [1, 1]} : vector<1x8192xf32> to vector<1x128xf32>
    %add3A_225 = vector.broadcast %slice3A_224 : vector<1x128xf32> to vector<1024x128xf32>
    %add3A_226 = arith.addf %sub3A_223, %add3A_225 : vector<1024x128xf32>
    %lt3A_227 = arith.cmpf olt, %add3A_226, %select_n3A_217 : vector<1024x128xf32>
    %select_n3A_228 = arith.select %lt3A_227, %add3A_226, %select_n3A_217 : vector<1024x128xi1>, vector<1024x128xf32>
    %jit3A_229 = arith.constant 2.000000e+00 : f32
    %broadcast_in_dim3A_230 = vector.broadcast %jit3A_229 : f32 to vector<1024x128xf32>
    %select_n3A_231 = arith.select %lt3A_227, %broadcast_in_dim3A_230, %select_n3A_220 : vector<1024x128xi1>, vector<1024x128xf32>
    %slice3A_232 = vector.extract_strided_slice %dot_general3A_16 {offsets = [0, 2432], sizes = [1024, 128], strides = [1, 1]} : vector<1024x8192xf32> to vector<1024x128xf32>
    %sub3A_233 = vector.broadcast %reshape3A : vector<1024x1xf32> to vector<1024x128xf32>
    %sub3A_234 = arith.subf %sub3A_233, %slice3A_232 : vector<1024x128xf32>
    %slice3A_235 = vector.extract_strided_slice %get3A_12 {offsets = [0, 2432], sizes = [1, 128], strides = [1, 1]} : vector<1x8192xf32> to vector<1x128xf32>
    %add3A_236 = vector.broadcast %slice3A_235 : vector<1x128xf32> to vector<1024x128xf32>
    %add3A_237 = arith.addf %sub3A_234, %add3A_236 : vector<1024x128xf32>
    %lt3A_238 = arith.cmpf olt, %add3A_237, %select_n3A_228 : vector<1024x128xf32>
    %select_n3A_239 = arith.select %lt3A_238, %add3A_237, %select_n3A_228 : vector<1024x128xi1>, vector<1024x128xf32>
    %jit3A_240 = arith.constant 3.000000e+00 : f32
    %broadcast_in_dim3A_241 = vector.broadcast %jit3A_240 : f32 to vector<1024x128xf32>
    %select_n3A_242 = arith.select %lt3A_238, %broadcast_in_dim3A_241, %select_n3A_231 : vector<1024x128xi1>, vector<1024x128xf32>
    %slice3A_243 = vector.extract_strided_slice %dot_general3A_16 {offsets = [0, 2560], sizes = [1024, 128], strides = [1, 1]} : vector<1024x8192xf32> to vector<1024x128xf32>
    %sub3A_244 = vector.broadcast %reshape3A : vector<1024x1xf32> to vector<1024x128xf32>
    %sub3A_245 = arith.subf %sub3A_244, %slice3A_243 : vector<1024x128xf32>
    %slice3A_246 = vector.extract_strided_slice %get3A_12 {offsets = [0, 2560], sizes = [1, 128], strides = [1, 1]} : vector<1x8192xf32> to vector<1x128xf32>
    %add3A_247 = vector.broadcast %slice3A_246 : vector<1x128xf32> to vector<1024x128xf32>
    %add3A_248 = arith.addf %sub3A_245, %add3A_247 : vector<1024x128xf32>
    %lt3A_249 = arith.cmpf olt, %add3A_248, %select_n3A_239 : vector<1024x128xf32>
    %select_n3A_250 = arith.select %lt3A_249, %add3A_248, %select_n3A_239 : vector<1024x128xi1>, vector<1024x128xf32>
    %jit3A_251 = arith.constant 4.000000e+00 : f32
    %broadcast_in_dim3A_252 = vector.broadcast %jit3A_251 : f32 to vector<1024x128xf32>
    %select_n3A_253 = arith.select %lt3A_249, %broadcast_in_dim3A_252, %select_n3A_242 : vector<1024x128xi1>, vector<1024x128xf32>
    %slice3A_254 = vector.extract_strided_slice %dot_general3A_16 {offsets = [0, 2688], sizes = [1024, 128], strides = [1, 1]} : vector<1024x8192xf32> to vector<1024x128xf32>
    %sub3A_255 = vector.broadcast %reshape3A : vector<1024x1xf32> to vector<1024x128xf32>
    %sub3A_256 = arith.subf %sub3A_255, %slice3A_254 : vector<1024x128xf32>
    %slice3A_257 = vector.extract_strided_slice %get3A_12 {offsets = [0, 2688], sizes = [1, 128], strides = [1, 1]} : vector<1x8192xf32> to vector<1x128xf32>
    %add3A_258 = vector.broadcast %slice3A_257 : vector<1x128xf32> to vector<1024x128xf32>
    %add3A_259 = arith.addf %sub3A_256, %add3A_258 : vector<1024x128xf32>
    %lt3A_260 = arith.cmpf olt, %add3A_259, %select_n3A_250 : vector<1024x128xf32>
    %select_n3A_261 = arith.select %lt3A_260, %add3A_259, %select_n3A_250 : vector<1024x128xi1>, vector<1024x128xf32>
    %jit3A_262 = arith.constant 5.000000e+00 : f32
    %broadcast_in_dim3A_263 = vector.broadcast %jit3A_262 : f32 to vector<1024x128xf32>
    %select_n3A_264 = arith.select %lt3A_260, %broadcast_in_dim3A_263, %select_n3A_253 : vector<1024x128xi1>, vector<1024x128xf32>
    %slice3A_265 = vector.extract_strided_slice %dot_general3A_16 {offsets = [0, 2816], sizes = [1024, 128], strides = [1, 1]} : vector<1024x8192xf32> to vector<1024x128xf32>
    %sub3A_266 = vector.broadcast %reshape3A : vector<1024x1xf32> to vector<1024x128xf32>
    %sub3A_267 = arith.subf %sub3A_266, %slice3A_265 : vector<1024x128xf32>
    %slice3A_268 = vector.extract_strided_slice %get3A_12 {offsets = [0, 2816], sizes = [1, 128], strides = [1, 1]} : vector<1x8192xf32> to vector<1x128xf32>
    %add3A_269 = vector.broadcast %slice3A_268 : vector<1x128xf32> to vector<1024x128xf32>
    %add3A_270 = arith.addf %sub3A_267, %add3A_269 : vector<1024x128xf32>
    %lt3A_271 = arith.cmpf olt, %add3A_270, %select_n3A_261 : vector<1024x128xf32>
    %select_n3A_272 = arith.select %lt3A_271, %add3A_270, %select_n3A_261 : vector<1024x128xi1>, vector<1024x128xf32>
    %jit3A_273 = arith.constant 6.000000e+00 : f32
    %broadcast_in_dim3A_274 = vector.broadcast %jit3A_273 : f32 to vector<1024x128xf32>
    %select_n3A_275 = arith.select %lt3A_271, %broadcast_in_dim3A_274, %select_n3A_264 : vector<1024x128xi1>, vector<1024x128xf32>
    %slice3A_276 = vector.extract_strided_slice %dot_general3A_16 {offsets = [0, 2944], sizes = [1024, 128], strides = [1, 1]} : vector<1024x8192xf32> to vector<1024x128xf32>
    %sub3A_277 = vector.broadcast %reshape3A : vector<1024x1xf32> to vector<1024x128xf32>
    %sub3A_278 = arith.subf %sub3A_277, %slice3A_276 : vector<1024x128xf32>
    %slice3A_279 = vector.extract_strided_slice %get3A_12 {offsets = [0, 2944], sizes = [1, 128], strides = [1, 1]} : vector<1x8192xf32> to vector<1x128xf32>
    %add3A_280 = vector.broadcast %slice3A_279 : vector<1x128xf32> to vector<1024x128xf32>
    %add3A_281 = arith.addf %sub3A_278, %add3A_280 : vector<1024x128xf32>
    %lt3A_282 = arith.cmpf olt, %add3A_281, %select_n3A_272 : vector<1024x128xf32>
    %select_n3A_283 = arith.select %lt3A_282, %add3A_281, %select_n3A_272 : vector<1024x128xi1>, vector<1024x128xf32>
    %jit3A_284 = arith.constant 7.000000e+00 : f32
    %broadcast_in_dim3A_285 = vector.broadcast %jit3A_284 : f32 to vector<1024x128xf32>
    %select_n3A_286 = arith.select %lt3A_282, %broadcast_in_dim3A_285, %select_n3A_275 : vector<1024x128xi1>, vector<1024x128xf32>
    %slice3A_287 = vector.extract_strided_slice %dot_general3A_16 {offsets = [0, 3072], sizes = [1024, 128], strides = [1, 1]} : vector<1024x8192xf32> to vector<1024x128xf32>
    %sub3A_288 = vector.broadcast %reshape3A : vector<1024x1xf32> to vector<1024x128xf32>
    %sub3A_289 = arith.subf %sub3A_288, %slice3A_287 : vector<1024x128xf32>
    %slice3A_290 = vector.extract_strided_slice %get3A_12 {offsets = [0, 3072], sizes = [1, 128], strides = [1, 1]} : vector<1x8192xf32> to vector<1x128xf32>
    %add3A_291 = vector.broadcast %slice3A_290 : vector<1x128xf32> to vector<1024x128xf32>
    %add3A_292 = arith.addf %sub3A_289, %add3A_291 : vector<1024x128xf32>
    %lt3A_293 = arith.cmpf olt, %add3A_292, %select_n3A_283 : vector<1024x128xf32>
    %select_n3A_294 = arith.select %lt3A_293, %add3A_292, %select_n3A_283 : vector<1024x128xi1>, vector<1024x128xf32>
    %jit3A_295 = arith.constant 8.000000e+00 : f32
    %broadcast_in_dim3A_296 = vector.broadcast %jit3A_295 : f32 to vector<1024x128xf32>
    %select_n3A_297 = arith.select %lt3A_293, %broadcast_in_dim3A_296, %select_n3A_286 : vector<1024x128xi1>, vector<1024x128xf32>
    %slice3A_298 = vector.extract_strided_slice %dot_general3A_16 {offsets = [0, 3200], sizes = [1024, 128], strides = [1, 1]} : vector<1024x8192xf32> to vector<1024x128xf32>
    %sub3A_299 = vector.broadcast %reshape3A : vector<1024x1xf32> to vector<1024x128xf32>
    %sub3A_300 = arith.subf %sub3A_299, %slice3A_298 : vector<1024x128xf32>
    %slice3A_301 = vector.extract_strided_slice %get3A_12 {offsets = [0, 3200], sizes = [1, 128], strides = [1, 1]} : vector<1x8192xf32> to vector<1x128xf32>
    %add3A_302 = vector.broadcast %slice3A_301 : vector<1x128xf32> to vector<1024x128xf32>
    %add3A_303 = arith.addf %sub3A_300, %add3A_302 : vector<1024x128xf32>
    %lt3A_304 = arith.cmpf olt, %add3A_303, %select_n3A_294 : vector<1024x128xf32>
    %select_n3A_305 = arith.select %lt3A_304, %add3A_303, %select_n3A_294 : vector<1024x128xi1>, vector<1024x128xf32>
    %jit3A_306 = arith.constant 9.000000e+00 : f32
    %broadcast_in_dim3A_307 = vector.broadcast %jit3A_306 : f32 to vector<1024x128xf32>
    %select_n3A_308 = arith.select %lt3A_304, %broadcast_in_dim3A_307, %select_n3A_297 : vector<1024x128xi1>, vector<1024x128xf32>
    %slice3A_309 = vector.extract_strided_slice %dot_general3A_16 {offsets = [0, 3328], sizes = [1024, 128], strides = [1, 1]} : vector<1024x8192xf32> to vector<1024x128xf32>
    %sub3A_310 = vector.broadcast %reshape3A : vector<1024x1xf32> to vector<1024x128xf32>
    %sub3A_311 = arith.subf %sub3A_310, %slice3A_309 : vector<1024x128xf32>
    %slice3A_312 = vector.extract_strided_slice %get3A_12 {offsets = [0, 3328], sizes = [1, 128], strides = [1, 1]} : vector<1x8192xf32> to vector<1x128xf32>
    %add3A_313 = vector.broadcast %slice3A_312 : vector<1x128xf32> to vector<1024x128xf32>
    %add3A_314 = arith.addf %sub3A_311, %add3A_313 : vector<1024x128xf32>
    %lt3A_315 = arith.cmpf olt, %add3A_314, %select_n3A_305 : vector<1024x128xf32>
    %select_n3A_316 = arith.select %lt3A_315, %add3A_314, %select_n3A_305 : vector<1024x128xi1>, vector<1024x128xf32>
    %jit3A_317 = arith.constant 1.000000e+01 : f32
    %broadcast_in_dim3A_318 = vector.broadcast %jit3A_317 : f32 to vector<1024x128xf32>
    %select_n3A_319 = arith.select %lt3A_315, %broadcast_in_dim3A_318, %select_n3A_308 : vector<1024x128xi1>, vector<1024x128xf32>
    %slice3A_320 = vector.extract_strided_slice %dot_general3A_16 {offsets = [0, 3456], sizes = [1024, 128], strides = [1, 1]} : vector<1024x8192xf32> to vector<1024x128xf32>
    %sub3A_321 = vector.broadcast %reshape3A : vector<1024x1xf32> to vector<1024x128xf32>
    %sub3A_322 = arith.subf %sub3A_321, %slice3A_320 : vector<1024x128xf32>
    %slice3A_323 = vector.extract_strided_slice %get3A_12 {offsets = [0, 3456], sizes = [1, 128], strides = [1, 1]} : vector<1x8192xf32> to vector<1x128xf32>
    %add3A_324 = vector.broadcast %slice3A_323 : vector<1x128xf32> to vector<1024x128xf32>
    %add3A_325 = arith.addf %sub3A_322, %add3A_324 : vector<1024x128xf32>
    %lt3A_326 = arith.cmpf olt, %add3A_325, %select_n3A_316 : vector<1024x128xf32>
    %select_n3A_327 = arith.select %lt3A_326, %add3A_325, %select_n3A_316 : vector<1024x128xi1>, vector<1024x128xf32>
    %jit3A_328 = arith.constant 1.100000e+01 : f32
    %broadcast_in_dim3A_329 = vector.broadcast %jit3A_328 : f32 to vector<1024x128xf32>
    %select_n3A_330 = arith.select %lt3A_326, %broadcast_in_dim3A_329, %select_n3A_319 : vector<1024x128xi1>, vector<1024x128xf32>
    %slice3A_331 = vector.extract_strided_slice %dot_general3A_16 {offsets = [0, 3584], sizes = [1024, 128], strides = [1, 1]} : vector<1024x8192xf32> to vector<1024x128xf32>
    %sub3A_332 = vector.broadcast %reshape3A : vector<1024x1xf32> to vector<1024x128xf32>
    %sub3A_333 = arith.subf %sub3A_332, %slice3A_331 : vector<1024x128xf32>
    %slice3A_334 = vector.extract_strided_slice %get3A_12 {offsets = [0, 3584], sizes = [1, 128], strides = [1, 1]} : vector<1x8192xf32> to vector<1x128xf32>
    %add3A_335 = vector.broadcast %slice3A_334 : vector<1x128xf32> to vector<1024x128xf32>
    %add3A_336 = arith.addf %sub3A_333, %add3A_335 : vector<1024x128xf32>
    %lt3A_337 = arith.cmpf olt, %add3A_336, %select_n3A_327 : vector<1024x128xf32>
    %select_n3A_338 = arith.select %lt3A_337, %add3A_336, %select_n3A_327 : vector<1024x128xi1>, vector<1024x128xf32>
    %jit3A_339 = arith.constant 1.200000e+01 : f32
    %broadcast_in_dim3A_340 = vector.broadcast %jit3A_339 : f32 to vector<1024x128xf32>
    %select_n3A_341 = arith.select %lt3A_337, %broadcast_in_dim3A_340, %select_n3A_330 : vector<1024x128xi1>, vector<1024x128xf32>
    %slice3A_342 = vector.extract_strided_slice %dot_general3A_16 {offsets = [0, 3712], sizes = [1024, 128], strides = [1, 1]} : vector<1024x8192xf32> to vector<1024x128xf32>
    %sub3A_343 = vector.broadcast %reshape3A : vector<1024x1xf32> to vector<1024x128xf32>
    %sub3A_344 = arith.subf %sub3A_343, %slice3A_342 : vector<1024x128xf32>
    %slice3A_345 = vector.extract_strided_slice %get3A_12 {offsets = [0, 3712], sizes = [1, 128], strides = [1, 1]} : vector<1x8192xf32> to vector<1x128xf32>
    %add3A_346 = vector.broadcast %slice3A_345 : vector<1x128xf32> to vector<1024x128xf32>
    %add3A_347 = arith.addf %sub3A_344, %add3A_346 : vector<1024x128xf32>
    %lt3A_348 = arith.cmpf olt, %add3A_347, %select_n3A_338 : vector<1024x128xf32>
    %select_n3A_349 = arith.select %lt3A_348, %add3A_347, %select_n3A_338 : vector<1024x128xi1>, vector<1024x128xf32>
    %jit3A_350 = arith.constant 1.300000e+01 : f32
    %broadcast_in_dim3A_351 = vector.broadcast %jit3A_350 : f32 to vector<1024x128xf32>
    %select_n3A_352 = arith.select %lt3A_348, %broadcast_in_dim3A_351, %select_n3A_341 : vector<1024x128xi1>, vector<1024x128xf32>
    %slice3A_353 = vector.extract_strided_slice %dot_general3A_16 {offsets = [0, 3840], sizes = [1024, 128], strides = [1, 1]} : vector<1024x8192xf32> to vector<1024x128xf32>
    %sub3A_354 = vector.broadcast %reshape3A : vector<1024x1xf32> to vector<1024x128xf32>
    %sub3A_355 = arith.subf %sub3A_354, %slice3A_353 : vector<1024x128xf32>
    %slice3A_356 = vector.extract_strided_slice %get3A_12 {offsets = [0, 3840], sizes = [1, 128], strides = [1, 1]} : vector<1x8192xf32> to vector<1x128xf32>
    %add3A_357 = vector.broadcast %slice3A_356 : vector<1x128xf32> to vector<1024x128xf32>
    %add3A_358 = arith.addf %sub3A_355, %add3A_357 : vector<1024x128xf32>
    %lt3A_359 = arith.cmpf olt, %add3A_358, %select_n3A_349 : vector<1024x128xf32>
    %select_n3A_360 = arith.select %lt3A_359, %add3A_358, %select_n3A_349 : vector<1024x128xi1>, vector<1024x128xf32>
    %jit3A_361 = arith.constant 1.400000e+01 : f32
    %broadcast_in_dim3A_362 = vector.broadcast %jit3A_361 : f32 to vector<1024x128xf32>
    %select_n3A_363 = arith.select %lt3A_359, %broadcast_in_dim3A_362, %select_n3A_352 : vector<1024x128xi1>, vector<1024x128xf32>
    %slice3A_364 = vector.extract_strided_slice %dot_general3A_16 {offsets = [0, 3968], sizes = [1024, 128], strides = [1, 1]} : vector<1024x8192xf32> to vector<1024x128xf32>
    %sub3A_365 = vector.broadcast %reshape3A : vector<1024x1xf32> to vector<1024x128xf32>
    %sub3A_366 = arith.subf %sub3A_365, %slice3A_364 : vector<1024x128xf32>
    %slice3A_367 = vector.extract_strided_slice %get3A_12 {offsets = [0, 3968], sizes = [1, 128], strides = [1, 1]} : vector<1x8192xf32> to vector<1x128xf32>
    %add3A_368 = vector.broadcast %slice3A_367 : vector<1x128xf32> to vector<1024x128xf32>
    %add3A_369 = arith.addf %sub3A_366, %add3A_368 : vector<1024x128xf32>
    %lt3A_370 = arith.cmpf olt, %add3A_369, %select_n3A_360 : vector<1024x128xf32>
    %select_n3A_371 = arith.select %lt3A_370, %add3A_369, %select_n3A_360 : vector<1024x128xi1>, vector<1024x128xf32>
    %jit3A_372 = arith.constant 1.500000e+01 : f32
    %broadcast_in_dim3A_373 = vector.broadcast %jit3A_372 : f32 to vector<1024x128xf32>
    %select_n3A_374 = arith.select %lt3A_370, %broadcast_in_dim3A_373, %select_n3A_363 : vector<1024x128xi1>, vector<1024x128xf32>
    %reduce_min3A_375 = arith.constant dense<0x7F800000> : vector<1024xf32>
    %reduce_min3A_376 = vector.multi_reduction <minimumf>, %select_n3A_371, %reduce_min3A_375 [1] : vector<1024x128xf32> to vector<1024xf32>
    %broadcast_in_dim3A_377 = vector.shape_cast %reduce_min3A_376 : vector<1024xf32> to vector<1024x1xf32>
    %eq3A_378 = vector.broadcast %broadcast_in_dim3A_377 : vector<1024x1xf32> to vector<1024x128xf32>
    %eq3A_379 = arith.cmpf oeq, %select_n3A_371, %eq3A_378 : vector<1024x128xf32>
    %mul3A_380 = arith.constant 1.280000e+02 : f32
    %mul3A_381 = vector.broadcast %mul3A_380 : f32 to vector<1024x128xf32>
    %mul3A_382 = arith.mulf %select_n3A_374, %mul3A_381 : vector<1024x128xf32>
    %add3A_383 = arith.addf %mul3A_382, %convert_element_type3A_17 : vector<1024x128xf32>
    %jit3A_384 = arith.constant 8.192000e+03 : f32
    %broadcast_in_dim3A_385 = vector.broadcast %jit3A_384 : f32 to vector<1024x128xf32>
    %select_n3A_386 = arith.select %eq3A_379, %add3A_383, %broadcast_in_dim3A_385 : vector<1024x128xi1>, vector<1024x128xf32>
    %reduce_min3A_387 = arith.constant dense<0x7F800000> : vector<1024xf32>
    %reduce_min3A_388 = vector.multi_reduction <minimumf>, %select_n3A_386, %reduce_min3A_387 [1] : vector<1024x128xf32> to vector<1024xf32>
    %convert_element_type3A_389 = arith.fptosi %reduce_min3A_388 : vector<1024xf32> to vector<1024xi32>
    %add3A_390 = arith.constant 2048 : i32
    %add3A_391 = vector.broadcast %add3A_390 : i32 to vector<1024xi32>
    %add3A_392 = arith.addi %convert_element_type3A_389, %add3A_391 : vector<1024xi32>
    %convert_element_type3A_393 = arith.truncf %reduce_min3A_376 : vector<1024xf32> to vector<1024xbf16>
    %convert_element_type3A_394 = arith.extf %convert_element_type3A_393 : vector<1024xbf16> to vector<1024xf32>
    %lt3A_395 = arith.cmpf olt, %reduce_min3A_376, %convert_element_type3A_201 : vector<1024xf32>
    %select_n3A_396 = arith.select %lt3A_395, %convert_element_type3A_394, %convert_element_type3A_201 : vector<1024xi1>, vector<1024xf32>
    %select_n3A_397 = arith.select %lt3A_395, %add3A_392, %add3A_199 : vector<1024xi1>, vector<1024xi32>
    %slice3A_398 = vector.extract_strided_slice %dot_general3A_16 {offsets = [0, 4096], sizes = [1024, 128], strides = [1, 1]} : vector<1024x8192xf32> to vector<1024x128xf32>
    %sub3A_399 = vector.broadcast %reshape3A : vector<1024x1xf32> to vector<1024x128xf32>
    %sub3A_400 = arith.subf %sub3A_399, %slice3A_398 : vector<1024x128xf32>
    %slice3A_401 = vector.extract_strided_slice %get3A_12 {offsets = [0, 4096], sizes = [1, 128], strides = [1, 1]} : vector<1x8192xf32> to vector<1x128xf32>
    %add3A_402 = vector.broadcast %slice3A_401 : vector<1x128xf32> to vector<1024x128xf32>
    %add3A_403 = arith.addf %sub3A_400, %add3A_402 : vector<1024x128xf32>
    %broadcast_in_dim3A_404 = arith.constant 0.000000e+00 : f32
    %broadcast_in_dim3A_405 = vector.broadcast %broadcast_in_dim3A_404 : f32 to vector<1024x128xf32>
    %slice3A_406 = vector.extract_strided_slice %dot_general3A_16 {offsets = [0, 4224], sizes = [1024, 128], strides = [1, 1]} : vector<1024x8192xf32> to vector<1024x128xf32>
    %sub3A_407 = vector.broadcast %reshape3A : vector<1024x1xf32> to vector<1024x128xf32>
    %sub3A_408 = arith.subf %sub3A_407, %slice3A_406 : vector<1024x128xf32>
    %slice3A_409 = vector.extract_strided_slice %get3A_12 {offsets = [0, 4224], sizes = [1, 128], strides = [1, 1]} : vector<1x8192xf32> to vector<1x128xf32>
    %add3A_410 = vector.broadcast %slice3A_409 : vector<1x128xf32> to vector<1024x128xf32>
    %add3A_411 = arith.addf %sub3A_408, %add3A_410 : vector<1024x128xf32>
    %lt3A_412 = arith.cmpf olt, %add3A_411, %add3A_403 : vector<1024x128xf32>
    %select_n3A_413 = arith.select %lt3A_412, %add3A_411, %add3A_403 : vector<1024x128xi1>, vector<1024x128xf32>
    %jit3A_414 = arith.constant 1.000000e+00 : f32
    %broadcast_in_dim3A_415 = vector.broadcast %jit3A_414 : f32 to vector<1024x128xf32>
    %select_n3A_416 = arith.select %lt3A_412, %broadcast_in_dim3A_415, %broadcast_in_dim3A_405 : vector<1024x128xi1>, vector<1024x128xf32>
    %slice3A_417 = vector.extract_strided_slice %dot_general3A_16 {offsets = [0, 4352], sizes = [1024, 128], strides = [1, 1]} : vector<1024x8192xf32> to vector<1024x128xf32>
    %sub3A_418 = vector.broadcast %reshape3A : vector<1024x1xf32> to vector<1024x128xf32>
    %sub3A_419 = arith.subf %sub3A_418, %slice3A_417 : vector<1024x128xf32>
    %slice3A_420 = vector.extract_strided_slice %get3A_12 {offsets = [0, 4352], sizes = [1, 128], strides = [1, 1]} : vector<1x8192xf32> to vector<1x128xf32>
    %add3A_421 = vector.broadcast %slice3A_420 : vector<1x128xf32> to vector<1024x128xf32>
    %add3A_422 = arith.addf %sub3A_419, %add3A_421 : vector<1024x128xf32>
    %lt3A_423 = arith.cmpf olt, %add3A_422, %select_n3A_413 : vector<1024x128xf32>
    %select_n3A_424 = arith.select %lt3A_423, %add3A_422, %select_n3A_413 : vector<1024x128xi1>, vector<1024x128xf32>
    %jit3A_425 = arith.constant 2.000000e+00 : f32
    %broadcast_in_dim3A_426 = vector.broadcast %jit3A_425 : f32 to vector<1024x128xf32>
    %select_n3A_427 = arith.select %lt3A_423, %broadcast_in_dim3A_426, %select_n3A_416 : vector<1024x128xi1>, vector<1024x128xf32>
    %slice3A_428 = vector.extract_strided_slice %dot_general3A_16 {offsets = [0, 4480], sizes = [1024, 128], strides = [1, 1]} : vector<1024x8192xf32> to vector<1024x128xf32>
    %sub3A_429 = vector.broadcast %reshape3A : vector<1024x1xf32> to vector<1024x128xf32>
    %sub3A_430 = arith.subf %sub3A_429, %slice3A_428 : vector<1024x128xf32>
    %slice3A_431 = vector.extract_strided_slice %get3A_12 {offsets = [0, 4480], sizes = [1, 128], strides = [1, 1]} : vector<1x8192xf32> to vector<1x128xf32>
    %add3A_432 = vector.broadcast %slice3A_431 : vector<1x128xf32> to vector<1024x128xf32>
    %add3A_433 = arith.addf %sub3A_430, %add3A_432 : vector<1024x128xf32>
    %lt3A_434 = arith.cmpf olt, %add3A_433, %select_n3A_424 : vector<1024x128xf32>
    %select_n3A_435 = arith.select %lt3A_434, %add3A_433, %select_n3A_424 : vector<1024x128xi1>, vector<1024x128xf32>
    %jit3A_436 = arith.constant 3.000000e+00 : f32
    %broadcast_in_dim3A_437 = vector.broadcast %jit3A_436 : f32 to vector<1024x128xf32>
    %select_n3A_438 = arith.select %lt3A_434, %broadcast_in_dim3A_437, %select_n3A_427 : vector<1024x128xi1>, vector<1024x128xf32>
    %slice3A_439 = vector.extract_strided_slice %dot_general3A_16 {offsets = [0, 4608], sizes = [1024, 128], strides = [1, 1]} : vector<1024x8192xf32> to vector<1024x128xf32>
    %sub3A_440 = vector.broadcast %reshape3A : vector<1024x1xf32> to vector<1024x128xf32>
    %sub3A_441 = arith.subf %sub3A_440, %slice3A_439 : vector<1024x128xf32>
    %slice3A_442 = vector.extract_strided_slice %get3A_12 {offsets = [0, 4608], sizes = [1, 128], strides = [1, 1]} : vector<1x8192xf32> to vector<1x128xf32>
    %add3A_443 = vector.broadcast %slice3A_442 : vector<1x128xf32> to vector<1024x128xf32>
    %add3A_444 = arith.addf %sub3A_441, %add3A_443 : vector<1024x128xf32>
    %lt3A_445 = arith.cmpf olt, %add3A_444, %select_n3A_435 : vector<1024x128xf32>
    %select_n3A_446 = arith.select %lt3A_445, %add3A_444, %select_n3A_435 : vector<1024x128xi1>, vector<1024x128xf32>
    %jit3A_447 = arith.constant 4.000000e+00 : f32
    %broadcast_in_dim3A_448 = vector.broadcast %jit3A_447 : f32 to vector<1024x128xf32>
    %select_n3A_449 = arith.select %lt3A_445, %broadcast_in_dim3A_448, %select_n3A_438 : vector<1024x128xi1>, vector<1024x128xf32>
    %slice3A_450 = vector.extract_strided_slice %dot_general3A_16 {offsets = [0, 4736], sizes = [1024, 128], strides = [1, 1]} : vector<1024x8192xf32> to vector<1024x128xf32>
    %sub3A_451 = vector.broadcast %reshape3A : vector<1024x1xf32> to vector<1024x128xf32>
    %sub3A_452 = arith.subf %sub3A_451, %slice3A_450 : vector<1024x128xf32>
    %slice3A_453 = vector.extract_strided_slice %get3A_12 {offsets = [0, 4736], sizes = [1, 128], strides = [1, 1]} : vector<1x8192xf32> to vector<1x128xf32>
    %add3A_454 = vector.broadcast %slice3A_453 : vector<1x128xf32> to vector<1024x128xf32>
    %add3A_455 = arith.addf %sub3A_452, %add3A_454 : vector<1024x128xf32>
    %lt3A_456 = arith.cmpf olt, %add3A_455, %select_n3A_446 : vector<1024x128xf32>
    %select_n3A_457 = arith.select %lt3A_456, %add3A_455, %select_n3A_446 : vector<1024x128xi1>, vector<1024x128xf32>
    %jit3A_458 = arith.constant 5.000000e+00 : f32
    %broadcast_in_dim3A_459 = vector.broadcast %jit3A_458 : f32 to vector<1024x128xf32>
    %select_n3A_460 = arith.select %lt3A_456, %broadcast_in_dim3A_459, %select_n3A_449 : vector<1024x128xi1>, vector<1024x128xf32>
    %slice3A_461 = vector.extract_strided_slice %dot_general3A_16 {offsets = [0, 4864], sizes = [1024, 128], strides = [1, 1]} : vector<1024x8192xf32> to vector<1024x128xf32>
    %sub3A_462 = vector.broadcast %reshape3A : vector<1024x1xf32> to vector<1024x128xf32>
    %sub3A_463 = arith.subf %sub3A_462, %slice3A_461 : vector<1024x128xf32>
    %slice3A_464 = vector.extract_strided_slice %get3A_12 {offsets = [0, 4864], sizes = [1, 128], strides = [1, 1]} : vector<1x8192xf32> to vector<1x128xf32>
    %add3A_465 = vector.broadcast %slice3A_464 : vector<1x128xf32> to vector<1024x128xf32>
    %add3A_466 = arith.addf %sub3A_463, %add3A_465 : vector<1024x128xf32>
    %lt3A_467 = arith.cmpf olt, %add3A_466, %select_n3A_457 : vector<1024x128xf32>
    %select_n3A_468 = arith.select %lt3A_467, %add3A_466, %select_n3A_457 : vector<1024x128xi1>, vector<1024x128xf32>
    %jit3A_469 = arith.constant 6.000000e+00 : f32
    %broadcast_in_dim3A_470 = vector.broadcast %jit3A_469 : f32 to vector<1024x128xf32>
    %select_n3A_471 = arith.select %lt3A_467, %broadcast_in_dim3A_470, %select_n3A_460 : vector<1024x128xi1>, vector<1024x128xf32>
    %slice3A_472 = vector.extract_strided_slice %dot_general3A_16 {offsets = [0, 4992], sizes = [1024, 128], strides = [1, 1]} : vector<1024x8192xf32> to vector<1024x128xf32>
    %sub3A_473 = vector.broadcast %reshape3A : vector<1024x1xf32> to vector<1024x128xf32>
    %sub3A_474 = arith.subf %sub3A_473, %slice3A_472 : vector<1024x128xf32>
    %slice3A_475 = vector.extract_strided_slice %get3A_12 {offsets = [0, 4992], sizes = [1, 128], strides = [1, 1]} : vector<1x8192xf32> to vector<1x128xf32>
    %add3A_476 = vector.broadcast %slice3A_475 : vector<1x128xf32> to vector<1024x128xf32>
    %add3A_477 = arith.addf %sub3A_474, %add3A_476 : vector<1024x128xf32>
    %lt3A_478 = arith.cmpf olt, %add3A_477, %select_n3A_468 : vector<1024x128xf32>
    %select_n3A_479 = arith.select %lt3A_478, %add3A_477, %select_n3A_468 : vector<1024x128xi1>, vector<1024x128xf32>
    %jit3A_480 = arith.constant 7.000000e+00 : f32
    %broadcast_in_dim3A_481 = vector.broadcast %jit3A_480 : f32 to vector<1024x128xf32>
    %select_n3A_482 = arith.select %lt3A_478, %broadcast_in_dim3A_481, %select_n3A_471 : vector<1024x128xi1>, vector<1024x128xf32>
    %slice3A_483 = vector.extract_strided_slice %dot_general3A_16 {offsets = [0, 5120], sizes = [1024, 128], strides = [1, 1]} : vector<1024x8192xf32> to vector<1024x128xf32>
    %sub3A_484 = vector.broadcast %reshape3A : vector<1024x1xf32> to vector<1024x128xf32>
    %sub3A_485 = arith.subf %sub3A_484, %slice3A_483 : vector<1024x128xf32>
    %slice3A_486 = vector.extract_strided_slice %get3A_12 {offsets = [0, 5120], sizes = [1, 128], strides = [1, 1]} : vector<1x8192xf32> to vector<1x128xf32>
    %add3A_487 = vector.broadcast %slice3A_486 : vector<1x128xf32> to vector<1024x128xf32>
    %add3A_488 = arith.addf %sub3A_485, %add3A_487 : vector<1024x128xf32>
    %lt3A_489 = arith.cmpf olt, %add3A_488, %select_n3A_479 : vector<1024x128xf32>
    %select_n3A_490 = arith.select %lt3A_489, %add3A_488, %select_n3A_479 : vector<1024x128xi1>, vector<1024x128xf32>
    %jit3A_491 = arith.constant 8.000000e+00 : f32
    %broadcast_in_dim3A_492 = vector.broadcast %jit3A_491 : f32 to vector<1024x128xf32>
    %select_n3A_493 = arith.select %lt3A_489, %broadcast_in_dim3A_492, %select_n3A_482 : vector<1024x128xi1>, vector<1024x128xf32>
    %slice3A_494 = vector.extract_strided_slice %dot_general3A_16 {offsets = [0, 5248], sizes = [1024, 128], strides = [1, 1]} : vector<1024x8192xf32> to vector<1024x128xf32>
    %sub3A_495 = vector.broadcast %reshape3A : vector<1024x1xf32> to vector<1024x128xf32>
    %sub3A_496 = arith.subf %sub3A_495, %slice3A_494 : vector<1024x128xf32>
    %slice3A_497 = vector.extract_strided_slice %get3A_12 {offsets = [0, 5248], sizes = [1, 128], strides = [1, 1]} : vector<1x8192xf32> to vector<1x128xf32>
    %add3A_498 = vector.broadcast %slice3A_497 : vector<1x128xf32> to vector<1024x128xf32>
    %add3A_499 = arith.addf %sub3A_496, %add3A_498 : vector<1024x128xf32>
    %lt3A_500 = arith.cmpf olt, %add3A_499, %select_n3A_490 : vector<1024x128xf32>
    %select_n3A_501 = arith.select %lt3A_500, %add3A_499, %select_n3A_490 : vector<1024x128xi1>, vector<1024x128xf32>
    %jit3A_502 = arith.constant 9.000000e+00 : f32
    %broadcast_in_dim3A_503 = vector.broadcast %jit3A_502 : f32 to vector<1024x128xf32>
    %select_n3A_504 = arith.select %lt3A_500, %broadcast_in_dim3A_503, %select_n3A_493 : vector<1024x128xi1>, vector<1024x128xf32>
    %slice3A_505 = vector.extract_strided_slice %dot_general3A_16 {offsets = [0, 5376], sizes = [1024, 128], strides = [1, 1]} : vector<1024x8192xf32> to vector<1024x128xf32>
    %sub3A_506 = vector.broadcast %reshape3A : vector<1024x1xf32> to vector<1024x128xf32>
    %sub3A_507 = arith.subf %sub3A_506, %slice3A_505 : vector<1024x128xf32>
    %slice3A_508 = vector.extract_strided_slice %get3A_12 {offsets = [0, 5376], sizes = [1, 128], strides = [1, 1]} : vector<1x8192xf32> to vector<1x128xf32>
    %add3A_509 = vector.broadcast %slice3A_508 : vector<1x128xf32> to vector<1024x128xf32>
    %add3A_510 = arith.addf %sub3A_507, %add3A_509 : vector<1024x128xf32>
    %lt3A_511 = arith.cmpf olt, %add3A_510, %select_n3A_501 : vector<1024x128xf32>
    %select_n3A_512 = arith.select %lt3A_511, %add3A_510, %select_n3A_501 : vector<1024x128xi1>, vector<1024x128xf32>
    %jit3A_513 = arith.constant 1.000000e+01 : f32
    %broadcast_in_dim3A_514 = vector.broadcast %jit3A_513 : f32 to vector<1024x128xf32>
    %select_n3A_515 = arith.select %lt3A_511, %broadcast_in_dim3A_514, %select_n3A_504 : vector<1024x128xi1>, vector<1024x128xf32>
    %slice3A_516 = vector.extract_strided_slice %dot_general3A_16 {offsets = [0, 5504], sizes = [1024, 128], strides = [1, 1]} : vector<1024x8192xf32> to vector<1024x128xf32>
    %sub3A_517 = vector.broadcast %reshape3A : vector<1024x1xf32> to vector<1024x128xf32>
    %sub3A_518 = arith.subf %sub3A_517, %slice3A_516 : vector<1024x128xf32>
    %slice3A_519 = vector.extract_strided_slice %get3A_12 {offsets = [0, 5504], sizes = [1, 128], strides = [1, 1]} : vector<1x8192xf32> to vector<1x128xf32>
    %add3A_520 = vector.broadcast %slice3A_519 : vector<1x128xf32> to vector<1024x128xf32>
    %add3A_521 = arith.addf %sub3A_518, %add3A_520 : vector<1024x128xf32>
    %lt3A_522 = arith.cmpf olt, %add3A_521, %select_n3A_512 : vector<1024x128xf32>
    %select_n3A_523 = arith.select %lt3A_522, %add3A_521, %select_n3A_512 : vector<1024x128xi1>, vector<1024x128xf32>
    %jit3A_524 = arith.constant 1.100000e+01 : f32
    %broadcast_in_dim3A_525 = vector.broadcast %jit3A_524 : f32 to vector<1024x128xf32>
    %select_n3A_526 = arith.select %lt3A_522, %broadcast_in_dim3A_525, %select_n3A_515 : vector<1024x128xi1>, vector<1024x128xf32>
    %slice3A_527 = vector.extract_strided_slice %dot_general3A_16 {offsets = [0, 5632], sizes = [1024, 128], strides = [1, 1]} : vector<1024x8192xf32> to vector<1024x128xf32>
    %sub3A_528 = vector.broadcast %reshape3A : vector<1024x1xf32> to vector<1024x128xf32>
    %sub3A_529 = arith.subf %sub3A_528, %slice3A_527 : vector<1024x128xf32>
    %slice3A_530 = vector.extract_strided_slice %get3A_12 {offsets = [0, 5632], sizes = [1, 128], strides = [1, 1]} : vector<1x8192xf32> to vector<1x128xf32>
    %add3A_531 = vector.broadcast %slice3A_530 : vector<1x128xf32> to vector<1024x128xf32>
    %add3A_532 = arith.addf %sub3A_529, %add3A_531 : vector<1024x128xf32>
    %lt3A_533 = arith.cmpf olt, %add3A_532, %select_n3A_523 : vector<1024x128xf32>
    %select_n3A_534 = arith.select %lt3A_533, %add3A_532, %select_n3A_523 : vector<1024x128xi1>, vector<1024x128xf32>
    %jit3A_535 = arith.constant 1.200000e+01 : f32
    %broadcast_in_dim3A_536 = vector.broadcast %jit3A_535 : f32 to vector<1024x128xf32>
    %select_n3A_537 = arith.select %lt3A_533, %broadcast_in_dim3A_536, %select_n3A_526 : vector<1024x128xi1>, vector<1024x128xf32>
    %slice3A_538 = vector.extract_strided_slice %dot_general3A_16 {offsets = [0, 5760], sizes = [1024, 128], strides = [1, 1]} : vector<1024x8192xf32> to vector<1024x128xf32>
    %sub3A_539 = vector.broadcast %reshape3A : vector<1024x1xf32> to vector<1024x128xf32>
    %sub3A_540 = arith.subf %sub3A_539, %slice3A_538 : vector<1024x128xf32>
    %slice3A_541 = vector.extract_strided_slice %get3A_12 {offsets = [0, 5760], sizes = [1, 128], strides = [1, 1]} : vector<1x8192xf32> to vector<1x128xf32>
    %add3A_542 = vector.broadcast %slice3A_541 : vector<1x128xf32> to vector<1024x128xf32>
    %add3A_543 = arith.addf %sub3A_540, %add3A_542 : vector<1024x128xf32>
    %lt3A_544 = arith.cmpf olt, %add3A_543, %select_n3A_534 : vector<1024x128xf32>
    %select_n3A_545 = arith.select %lt3A_544, %add3A_543, %select_n3A_534 : vector<1024x128xi1>, vector<1024x128xf32>
    %jit3A_546 = arith.constant 1.300000e+01 : f32
    %broadcast_in_dim3A_547 = vector.broadcast %jit3A_546 : f32 to vector<1024x128xf32>
    %select_n3A_548 = arith.select %lt3A_544, %broadcast_in_dim3A_547, %select_n3A_537 : vector<1024x128xi1>, vector<1024x128xf32>
    %slice3A_549 = vector.extract_strided_slice %dot_general3A_16 {offsets = [0, 5888], sizes = [1024, 128], strides = [1, 1]} : vector<1024x8192xf32> to vector<1024x128xf32>
    %sub3A_550 = vector.broadcast %reshape3A : vector<1024x1xf32> to vector<1024x128xf32>
    %sub3A_551 = arith.subf %sub3A_550, %slice3A_549 : vector<1024x128xf32>
    %slice3A_552 = vector.extract_strided_slice %get3A_12 {offsets = [0, 5888], sizes = [1, 128], strides = [1, 1]} : vector<1x8192xf32> to vector<1x128xf32>
    %add3A_553 = vector.broadcast %slice3A_552 : vector<1x128xf32> to vector<1024x128xf32>
    %add3A_554 = arith.addf %sub3A_551, %add3A_553 : vector<1024x128xf32>
    %lt3A_555 = arith.cmpf olt, %add3A_554, %select_n3A_545 : vector<1024x128xf32>
    %select_n3A_556 = arith.select %lt3A_555, %add3A_554, %select_n3A_545 : vector<1024x128xi1>, vector<1024x128xf32>
    %jit3A_557 = arith.constant 1.400000e+01 : f32
    %broadcast_in_dim3A_558 = vector.broadcast %jit3A_557 : f32 to vector<1024x128xf32>
    %select_n3A_559 = arith.select %lt3A_555, %broadcast_in_dim3A_558, %select_n3A_548 : vector<1024x128xi1>, vector<1024x128xf32>
    %slice3A_560 = vector.extract_strided_slice %dot_general3A_16 {offsets = [0, 6016], sizes = [1024, 128], strides = [1, 1]} : vector<1024x8192xf32> to vector<1024x128xf32>
    %sub3A_561 = vector.broadcast %reshape3A : vector<1024x1xf32> to vector<1024x128xf32>
    %sub3A_562 = arith.subf %sub3A_561, %slice3A_560 : vector<1024x128xf32>
    %slice3A_563 = vector.extract_strided_slice %get3A_12 {offsets = [0, 6016], sizes = [1, 128], strides = [1, 1]} : vector<1x8192xf32> to vector<1x128xf32>
    %add3A_564 = vector.broadcast %slice3A_563 : vector<1x128xf32> to vector<1024x128xf32>
    %add3A_565 = arith.addf %sub3A_562, %add3A_564 : vector<1024x128xf32>
    %lt3A_566 = arith.cmpf olt, %add3A_565, %select_n3A_556 : vector<1024x128xf32>
    %select_n3A_567 = arith.select %lt3A_566, %add3A_565, %select_n3A_556 : vector<1024x128xi1>, vector<1024x128xf32>
    %jit3A_568 = arith.constant 1.500000e+01 : f32
    %broadcast_in_dim3A_569 = vector.broadcast %jit3A_568 : f32 to vector<1024x128xf32>
    %select_n3A_570 = arith.select %lt3A_566, %broadcast_in_dim3A_569, %select_n3A_559 : vector<1024x128xi1>, vector<1024x128xf32>
    %reduce_min3A_571 = arith.constant dense<0x7F800000> : vector<1024xf32>
    %reduce_min3A_572 = vector.multi_reduction <minimumf>, %select_n3A_567, %reduce_min3A_571 [1] : vector<1024x128xf32> to vector<1024xf32>
    %broadcast_in_dim3A_573 = vector.shape_cast %reduce_min3A_572 : vector<1024xf32> to vector<1024x1xf32>
    %eq3A_574 = vector.broadcast %broadcast_in_dim3A_573 : vector<1024x1xf32> to vector<1024x128xf32>
    %eq3A_575 = arith.cmpf oeq, %select_n3A_567, %eq3A_574 : vector<1024x128xf32>
    %mul3A_576 = arith.constant 1.280000e+02 : f32
    %mul3A_577 = vector.broadcast %mul3A_576 : f32 to vector<1024x128xf32>
    %mul3A_578 = arith.mulf %select_n3A_570, %mul3A_577 : vector<1024x128xf32>
    %add3A_579 = arith.addf %mul3A_578, %convert_element_type3A_17 : vector<1024x128xf32>
    %jit3A_580 = arith.constant 8.192000e+03 : f32
    %broadcast_in_dim3A_581 = vector.broadcast %jit3A_580 : f32 to vector<1024x128xf32>
    %select_n3A_582 = arith.select %eq3A_575, %add3A_579, %broadcast_in_dim3A_581 : vector<1024x128xi1>, vector<1024x128xf32>
    %reduce_min3A_583 = arith.constant dense<0x7F800000> : vector<1024xf32>
    %reduce_min3A_584 = vector.multi_reduction <minimumf>, %select_n3A_582, %reduce_min3A_583 [1] : vector<1024x128xf32> to vector<1024xf32>
    %convert_element_type3A_585 = arith.fptosi %reduce_min3A_584 : vector<1024xf32> to vector<1024xi32>
    %add3A_586 = arith.constant 4096 : i32
    %add3A_587 = vector.broadcast %add3A_586 : i32 to vector<1024xi32>
    %add3A_588 = arith.addi %convert_element_type3A_585, %add3A_587 : vector<1024xi32>
    %convert_element_type3A_589 = arith.truncf %reduce_min3A_572 : vector<1024xf32> to vector<1024xbf16>
    %convert_element_type3A_590 = arith.extf %convert_element_type3A_589 : vector<1024xbf16> to vector<1024xf32>
    %lt3A_591 = arith.cmpf olt, %reduce_min3A_572, %select_n3A_396 : vector<1024xf32>
    %select_n3A_592 = arith.select %lt3A_591, %convert_element_type3A_590, %select_n3A_396 : vector<1024xi1>, vector<1024xf32>
    %select_n3A_593 = arith.select %lt3A_591, %add3A_588, %select_n3A_397 : vector<1024xi1>, vector<1024xi32>
    %slice3A_594 = vector.extract_strided_slice %dot_general3A_16 {offsets = [0, 6144], sizes = [1024, 128], strides = [1, 1]} : vector<1024x8192xf32> to vector<1024x128xf32>
    %sub3A_595 = vector.broadcast %reshape3A : vector<1024x1xf32> to vector<1024x128xf32>
    %sub3A_596 = arith.subf %sub3A_595, %slice3A_594 : vector<1024x128xf32>
    %slice3A_597 = vector.extract_strided_slice %get3A_12 {offsets = [0, 6144], sizes = [1, 128], strides = [1, 1]} : vector<1x8192xf32> to vector<1x128xf32>
    %add3A_598 = vector.broadcast %slice3A_597 : vector<1x128xf32> to vector<1024x128xf32>
    %add3A_599 = arith.addf %sub3A_596, %add3A_598 : vector<1024x128xf32>
    %broadcast_in_dim3A_600 = arith.constant 0.000000e+00 : f32
    %broadcast_in_dim3A_601 = vector.broadcast %broadcast_in_dim3A_600 : f32 to vector<1024x128xf32>
    %slice3A_602 = vector.extract_strided_slice %dot_general3A_16 {offsets = [0, 6272], sizes = [1024, 128], strides = [1, 1]} : vector<1024x8192xf32> to vector<1024x128xf32>
    %sub3A_603 = vector.broadcast %reshape3A : vector<1024x1xf32> to vector<1024x128xf32>
    %sub3A_604 = arith.subf %sub3A_603, %slice3A_602 : vector<1024x128xf32>
    %slice3A_605 = vector.extract_strided_slice %get3A_12 {offsets = [0, 6272], sizes = [1, 128], strides = [1, 1]} : vector<1x8192xf32> to vector<1x128xf32>
    %add3A_606 = vector.broadcast %slice3A_605 : vector<1x128xf32> to vector<1024x128xf32>
    %add3A_607 = arith.addf %sub3A_604, %add3A_606 : vector<1024x128xf32>
    %lt3A_608 = arith.cmpf olt, %add3A_607, %add3A_599 : vector<1024x128xf32>
    %select_n3A_609 = arith.select %lt3A_608, %add3A_607, %add3A_599 : vector<1024x128xi1>, vector<1024x128xf32>
    %jit3A_610 = arith.constant 1.000000e+00 : f32
    %broadcast_in_dim3A_611 = vector.broadcast %jit3A_610 : f32 to vector<1024x128xf32>
    %select_n3A_612 = arith.select %lt3A_608, %broadcast_in_dim3A_611, %broadcast_in_dim3A_601 : vector<1024x128xi1>, vector<1024x128xf32>
    %slice3A_613 = vector.extract_strided_slice %dot_general3A_16 {offsets = [0, 6400], sizes = [1024, 128], strides = [1, 1]} : vector<1024x8192xf32> to vector<1024x128xf32>
    %sub3A_614 = vector.broadcast %reshape3A : vector<1024x1xf32> to vector<1024x128xf32>
    %sub3A_615 = arith.subf %sub3A_614, %slice3A_613 : vector<1024x128xf32>
    %slice3A_616 = vector.extract_strided_slice %get3A_12 {offsets = [0, 6400], sizes = [1, 128], strides = [1, 1]} : vector<1x8192xf32> to vector<1x128xf32>
    %add3A_617 = vector.broadcast %slice3A_616 : vector<1x128xf32> to vector<1024x128xf32>
    %add3A_618 = arith.addf %sub3A_615, %add3A_617 : vector<1024x128xf32>
    %lt3A_619 = arith.cmpf olt, %add3A_618, %select_n3A_609 : vector<1024x128xf32>
    %select_n3A_620 = arith.select %lt3A_619, %add3A_618, %select_n3A_609 : vector<1024x128xi1>, vector<1024x128xf32>
    %jit3A_621 = arith.constant 2.000000e+00 : f32
    %broadcast_in_dim3A_622 = vector.broadcast %jit3A_621 : f32 to vector<1024x128xf32>
    %select_n3A_623 = arith.select %lt3A_619, %broadcast_in_dim3A_622, %select_n3A_612 : vector<1024x128xi1>, vector<1024x128xf32>
    %slice3A_624 = vector.extract_strided_slice %dot_general3A_16 {offsets = [0, 6528], sizes = [1024, 128], strides = [1, 1]} : vector<1024x8192xf32> to vector<1024x128xf32>
    %sub3A_625 = vector.broadcast %reshape3A : vector<1024x1xf32> to vector<1024x128xf32>
    %sub3A_626 = arith.subf %sub3A_625, %slice3A_624 : vector<1024x128xf32>
    %slice3A_627 = vector.extract_strided_slice %get3A_12 {offsets = [0, 6528], sizes = [1, 128], strides = [1, 1]} : vector<1x8192xf32> to vector<1x128xf32>
    %add3A_628 = vector.broadcast %slice3A_627 : vector<1x128xf32> to vector<1024x128xf32>
    %add3A_629 = arith.addf %sub3A_626, %add3A_628 : vector<1024x128xf32>
    %lt3A_630 = arith.cmpf olt, %add3A_629, %select_n3A_620 : vector<1024x128xf32>
    %select_n3A_631 = arith.select %lt3A_630, %add3A_629, %select_n3A_620 : vector<1024x128xi1>, vector<1024x128xf32>
    %jit3A_632 = arith.constant 3.000000e+00 : f32
    %broadcast_in_dim3A_633 = vector.broadcast %jit3A_632 : f32 to vector<1024x128xf32>
    %select_n3A_634 = arith.select %lt3A_630, %broadcast_in_dim3A_633, %select_n3A_623 : vector<1024x128xi1>, vector<1024x128xf32>
    %slice3A_635 = vector.extract_strided_slice %dot_general3A_16 {offsets = [0, 6656], sizes = [1024, 128], strides = [1, 1]} : vector<1024x8192xf32> to vector<1024x128xf32>
    %sub3A_636 = vector.broadcast %reshape3A : vector<1024x1xf32> to vector<1024x128xf32>
    %sub3A_637 = arith.subf %sub3A_636, %slice3A_635 : vector<1024x128xf32>
    %slice3A_638 = vector.extract_strided_slice %get3A_12 {offsets = [0, 6656], sizes = [1, 128], strides = [1, 1]} : vector<1x8192xf32> to vector<1x128xf32>
    %add3A_639 = vector.broadcast %slice3A_638 : vector<1x128xf32> to vector<1024x128xf32>
    %add3A_640 = arith.addf %sub3A_637, %add3A_639 : vector<1024x128xf32>
    %lt3A_641 = arith.cmpf olt, %add3A_640, %select_n3A_631 : vector<1024x128xf32>
    %select_n3A_642 = arith.select %lt3A_641, %add3A_640, %select_n3A_631 : vector<1024x128xi1>, vector<1024x128xf32>
    %jit3A_643 = arith.constant 4.000000e+00 : f32
    %broadcast_in_dim3A_644 = vector.broadcast %jit3A_643 : f32 to vector<1024x128xf32>
    %select_n3A_645 = arith.select %lt3A_641, %broadcast_in_dim3A_644, %select_n3A_634 : vector<1024x128xi1>, vector<1024x128xf32>
    %slice3A_646 = vector.extract_strided_slice %dot_general3A_16 {offsets = [0, 6784], sizes = [1024, 128], strides = [1, 1]} : vector<1024x8192xf32> to vector<1024x128xf32>
    %sub3A_647 = vector.broadcast %reshape3A : vector<1024x1xf32> to vector<1024x128xf32>
    %sub3A_648 = arith.subf %sub3A_647, %slice3A_646 : vector<1024x128xf32>
    %slice3A_649 = vector.extract_strided_slice %get3A_12 {offsets = [0, 6784], sizes = [1, 128], strides = [1, 1]} : vector<1x8192xf32> to vector<1x128xf32>
    %add3A_650 = vector.broadcast %slice3A_649 : vector<1x128xf32> to vector<1024x128xf32>
    %add3A_651 = arith.addf %sub3A_648, %add3A_650 : vector<1024x128xf32>
    %lt3A_652 = arith.cmpf olt, %add3A_651, %select_n3A_642 : vector<1024x128xf32>
    %select_n3A_653 = arith.select %lt3A_652, %add3A_651, %select_n3A_642 : vector<1024x128xi1>, vector<1024x128xf32>
    %jit3A_654 = arith.constant 5.000000e+00 : f32
    %broadcast_in_dim3A_655 = vector.broadcast %jit3A_654 : f32 to vector<1024x128xf32>
    %select_n3A_656 = arith.select %lt3A_652, %broadcast_in_dim3A_655, %select_n3A_645 : vector<1024x128xi1>, vector<1024x128xf32>
    %slice3A_657 = vector.extract_strided_slice %dot_general3A_16 {offsets = [0, 6912], sizes = [1024, 128], strides = [1, 1]} : vector<1024x8192xf32> to vector<1024x128xf32>
    %sub3A_658 = vector.broadcast %reshape3A : vector<1024x1xf32> to vector<1024x128xf32>
    %sub3A_659 = arith.subf %sub3A_658, %slice3A_657 : vector<1024x128xf32>
    %slice3A_660 = vector.extract_strided_slice %get3A_12 {offsets = [0, 6912], sizes = [1, 128], strides = [1, 1]} : vector<1x8192xf32> to vector<1x128xf32>
    %add3A_661 = vector.broadcast %slice3A_660 : vector<1x128xf32> to vector<1024x128xf32>
    %add3A_662 = arith.addf %sub3A_659, %add3A_661 : vector<1024x128xf32>
    %lt3A_663 = arith.cmpf olt, %add3A_662, %select_n3A_653 : vector<1024x128xf32>
    %select_n3A_664 = arith.select %lt3A_663, %add3A_662, %select_n3A_653 : vector<1024x128xi1>, vector<1024x128xf32>
    %jit3A_665 = arith.constant 6.000000e+00 : f32
    %broadcast_in_dim3A_666 = vector.broadcast %jit3A_665 : f32 to vector<1024x128xf32>
    %select_n3A_667 = arith.select %lt3A_663, %broadcast_in_dim3A_666, %select_n3A_656 : vector<1024x128xi1>, vector<1024x128xf32>
    %slice3A_668 = vector.extract_strided_slice %dot_general3A_16 {offsets = [0, 7040], sizes = [1024, 128], strides = [1, 1]} : vector<1024x8192xf32> to vector<1024x128xf32>
    %sub3A_669 = vector.broadcast %reshape3A : vector<1024x1xf32> to vector<1024x128xf32>
    %sub3A_670 = arith.subf %sub3A_669, %slice3A_668 : vector<1024x128xf32>
    %slice3A_671 = vector.extract_strided_slice %get3A_12 {offsets = [0, 7040], sizes = [1, 128], strides = [1, 1]} : vector<1x8192xf32> to vector<1x128xf32>
    %add3A_672 = vector.broadcast %slice3A_671 : vector<1x128xf32> to vector<1024x128xf32>
    %add3A_673 = arith.addf %sub3A_670, %add3A_672 : vector<1024x128xf32>
    %lt3A_674 = arith.cmpf olt, %add3A_673, %select_n3A_664 : vector<1024x128xf32>
    %select_n3A_675 = arith.select %lt3A_674, %add3A_673, %select_n3A_664 : vector<1024x128xi1>, vector<1024x128xf32>
    %jit3A_676 = arith.constant 7.000000e+00 : f32
    %broadcast_in_dim3A_677 = vector.broadcast %jit3A_676 : f32 to vector<1024x128xf32>
    %select_n3A_678 = arith.select %lt3A_674, %broadcast_in_dim3A_677, %select_n3A_667 : vector<1024x128xi1>, vector<1024x128xf32>
    %slice3A_679 = vector.extract_strided_slice %dot_general3A_16 {offsets = [0, 7168], sizes = [1024, 128], strides = [1, 1]} : vector<1024x8192xf32> to vector<1024x128xf32>
    %sub3A_680 = vector.broadcast %reshape3A : vector<1024x1xf32> to vector<1024x128xf32>
    %sub3A_681 = arith.subf %sub3A_680, %slice3A_679 : vector<1024x128xf32>
    %slice3A_682 = vector.extract_strided_slice %get3A_12 {offsets = [0, 7168], sizes = [1, 128], strides = [1, 1]} : vector<1x8192xf32> to vector<1x128xf32>
    %add3A_683 = vector.broadcast %slice3A_682 : vector<1x128xf32> to vector<1024x128xf32>
    %add3A_684 = arith.addf %sub3A_681, %add3A_683 : vector<1024x128xf32>
    %lt3A_685 = arith.cmpf olt, %add3A_684, %select_n3A_675 : vector<1024x128xf32>
    %select_n3A_686 = arith.select %lt3A_685, %add3A_684, %select_n3A_675 : vector<1024x128xi1>, vector<1024x128xf32>
    %jit3A_687 = arith.constant 8.000000e+00 : f32
    %broadcast_in_dim3A_688 = vector.broadcast %jit3A_687 : f32 to vector<1024x128xf32>
    %select_n3A_689 = arith.select %lt3A_685, %broadcast_in_dim3A_688, %select_n3A_678 : vector<1024x128xi1>, vector<1024x128xf32>
    %slice3A_690 = vector.extract_strided_slice %dot_general3A_16 {offsets = [0, 7296], sizes = [1024, 128], strides = [1, 1]} : vector<1024x8192xf32> to vector<1024x128xf32>
    %sub3A_691 = vector.broadcast %reshape3A : vector<1024x1xf32> to vector<1024x128xf32>
    %sub3A_692 = arith.subf %sub3A_691, %slice3A_690 : vector<1024x128xf32>
    %slice3A_693 = vector.extract_strided_slice %get3A_12 {offsets = [0, 7296], sizes = [1, 128], strides = [1, 1]} : vector<1x8192xf32> to vector<1x128xf32>
    %add3A_694 = vector.broadcast %slice3A_693 : vector<1x128xf32> to vector<1024x128xf32>
    %add3A_695 = arith.addf %sub3A_692, %add3A_694 : vector<1024x128xf32>
    %lt3A_696 = arith.cmpf olt, %add3A_695, %select_n3A_686 : vector<1024x128xf32>
    %select_n3A_697 = arith.select %lt3A_696, %add3A_695, %select_n3A_686 : vector<1024x128xi1>, vector<1024x128xf32>
    %jit3A_698 = arith.constant 9.000000e+00 : f32
    %broadcast_in_dim3A_699 = vector.broadcast %jit3A_698 : f32 to vector<1024x128xf32>
    %select_n3A_700 = arith.select %lt3A_696, %broadcast_in_dim3A_699, %select_n3A_689 : vector<1024x128xi1>, vector<1024x128xf32>
    %slice3A_701 = vector.extract_strided_slice %dot_general3A_16 {offsets = [0, 7424], sizes = [1024, 128], strides = [1, 1]} : vector<1024x8192xf32> to vector<1024x128xf32>
    %sub3A_702 = vector.broadcast %reshape3A : vector<1024x1xf32> to vector<1024x128xf32>
    %sub3A_703 = arith.subf %sub3A_702, %slice3A_701 : vector<1024x128xf32>
    %slice3A_704 = vector.extract_strided_slice %get3A_12 {offsets = [0, 7424], sizes = [1, 128], strides = [1, 1]} : vector<1x8192xf32> to vector<1x128xf32>
    %add3A_705 = vector.broadcast %slice3A_704 : vector<1x128xf32> to vector<1024x128xf32>
    %add3A_706 = arith.addf %sub3A_703, %add3A_705 : vector<1024x128xf32>
    %lt3A_707 = arith.cmpf olt, %add3A_706, %select_n3A_697 : vector<1024x128xf32>
    %select_n3A_708 = arith.select %lt3A_707, %add3A_706, %select_n3A_697 : vector<1024x128xi1>, vector<1024x128xf32>
    %jit3A_709 = arith.constant 1.000000e+01 : f32
    %broadcast_in_dim3A_710 = vector.broadcast %jit3A_709 : f32 to vector<1024x128xf32>
    %select_n3A_711 = arith.select %lt3A_707, %broadcast_in_dim3A_710, %select_n3A_700 : vector<1024x128xi1>, vector<1024x128xf32>
    %slice3A_712 = vector.extract_strided_slice %dot_general3A_16 {offsets = [0, 7552], sizes = [1024, 128], strides = [1, 1]} : vector<1024x8192xf32> to vector<1024x128xf32>
    %sub3A_713 = vector.broadcast %reshape3A : vector<1024x1xf32> to vector<1024x128xf32>
    %sub3A_714 = arith.subf %sub3A_713, %slice3A_712 : vector<1024x128xf32>
    %slice3A_715 = vector.extract_strided_slice %get3A_12 {offsets = [0, 7552], sizes = [1, 128], strides = [1, 1]} : vector<1x8192xf32> to vector<1x128xf32>
    %add3A_716 = vector.broadcast %slice3A_715 : vector<1x128xf32> to vector<1024x128xf32>
    %add3A_717 = arith.addf %sub3A_714, %add3A_716 : vector<1024x128xf32>
    %lt3A_718 = arith.cmpf olt, %add3A_717, %select_n3A_708 : vector<1024x128xf32>
    %select_n3A_719 = arith.select %lt3A_718, %add3A_717, %select_n3A_708 : vector<1024x128xi1>, vector<1024x128xf32>
    %jit3A_720 = arith.constant 1.100000e+01 : f32
    %broadcast_in_dim3A_721 = vector.broadcast %jit3A_720 : f32 to vector<1024x128xf32>
    %select_n3A_722 = arith.select %lt3A_718, %broadcast_in_dim3A_721, %select_n3A_711 : vector<1024x128xi1>, vector<1024x128xf32>
    %slice3A_723 = vector.extract_strided_slice %dot_general3A_16 {offsets = [0, 7680], sizes = [1024, 128], strides = [1, 1]} : vector<1024x8192xf32> to vector<1024x128xf32>
    %sub3A_724 = vector.broadcast %reshape3A : vector<1024x1xf32> to vector<1024x128xf32>
    %sub3A_725 = arith.subf %sub3A_724, %slice3A_723 : vector<1024x128xf32>
    %slice3A_726 = vector.extract_strided_slice %get3A_12 {offsets = [0, 7680], sizes = [1, 128], strides = [1, 1]} : vector<1x8192xf32> to vector<1x128xf32>
    %add3A_727 = vector.broadcast %slice3A_726 : vector<1x128xf32> to vector<1024x128xf32>
    %add3A_728 = arith.addf %sub3A_725, %add3A_727 : vector<1024x128xf32>
    %lt3A_729 = arith.cmpf olt, %add3A_728, %select_n3A_719 : vector<1024x128xf32>
    %select_n3A_730 = arith.select %lt3A_729, %add3A_728, %select_n3A_719 : vector<1024x128xi1>, vector<1024x128xf32>
    %jit3A_731 = arith.constant 1.200000e+01 : f32
    %broadcast_in_dim3A_732 = vector.broadcast %jit3A_731 : f32 to vector<1024x128xf32>
    %select_n3A_733 = arith.select %lt3A_729, %broadcast_in_dim3A_732, %select_n3A_722 : vector<1024x128xi1>, vector<1024x128xf32>
    %slice3A_734 = vector.extract_strided_slice %dot_general3A_16 {offsets = [0, 7808], sizes = [1024, 128], strides = [1, 1]} : vector<1024x8192xf32> to vector<1024x128xf32>
    %sub3A_735 = vector.broadcast %reshape3A : vector<1024x1xf32> to vector<1024x128xf32>
    %sub3A_736 = arith.subf %sub3A_735, %slice3A_734 : vector<1024x128xf32>
    %slice3A_737 = vector.extract_strided_slice %get3A_12 {offsets = [0, 7808], sizes = [1, 128], strides = [1, 1]} : vector<1x8192xf32> to vector<1x128xf32>
    %add3A_738 = vector.broadcast %slice3A_737 : vector<1x128xf32> to vector<1024x128xf32>
    %add3A_739 = arith.addf %sub3A_736, %add3A_738 : vector<1024x128xf32>
    %lt3A_740 = arith.cmpf olt, %add3A_739, %select_n3A_730 : vector<1024x128xf32>
    %select_n3A_741 = arith.select %lt3A_740, %add3A_739, %select_n3A_730 : vector<1024x128xi1>, vector<1024x128xf32>
    %jit3A_742 = arith.constant 1.300000e+01 : f32
    %broadcast_in_dim3A_743 = vector.broadcast %jit3A_742 : f32 to vector<1024x128xf32>
    %select_n3A_744 = arith.select %lt3A_740, %broadcast_in_dim3A_743, %select_n3A_733 : vector<1024x128xi1>, vector<1024x128xf32>
    %slice3A_745 = vector.extract_strided_slice %dot_general3A_16 {offsets = [0, 7936], sizes = [1024, 128], strides = [1, 1]} : vector<1024x8192xf32> to vector<1024x128xf32>
    %sub3A_746 = vector.broadcast %reshape3A : vector<1024x1xf32> to vector<1024x128xf32>
    %sub3A_747 = arith.subf %sub3A_746, %slice3A_745 : vector<1024x128xf32>
    %slice3A_748 = vector.extract_strided_slice %get3A_12 {offsets = [0, 7936], sizes = [1, 128], strides = [1, 1]} : vector<1x8192xf32> to vector<1x128xf32>
    %add3A_749 = vector.broadcast %slice3A_748 : vector<1x128xf32> to vector<1024x128xf32>
    %add3A_750 = arith.addf %sub3A_747, %add3A_749 : vector<1024x128xf32>
    %lt3A_751 = arith.cmpf olt, %add3A_750, %select_n3A_741 : vector<1024x128xf32>
    %select_n3A_752 = arith.select %lt3A_751, %add3A_750, %select_n3A_741 : vector<1024x128xi1>, vector<1024x128xf32>
    %jit3A_753 = arith.constant 1.400000e+01 : f32
    %broadcast_in_dim3A_754 = vector.broadcast %jit3A_753 : f32 to vector<1024x128xf32>
    %select_n3A_755 = arith.select %lt3A_751, %broadcast_in_dim3A_754, %select_n3A_744 : vector<1024x128xi1>, vector<1024x128xf32>
    %slice3A_756 = vector.extract_strided_slice %dot_general3A_16 {offsets = [0, 8064], sizes = [1024, 128], strides = [1, 1]} : vector<1024x8192xf32> to vector<1024x128xf32>
    %sub3A_757 = vector.broadcast %reshape3A : vector<1024x1xf32> to vector<1024x128xf32>
    %sub3A_758 = arith.subf %sub3A_757, %slice3A_756 : vector<1024x128xf32>
    %slice3A_759 = vector.extract_strided_slice %get3A_12 {offsets = [0, 8064], sizes = [1, 128], strides = [1, 1]} : vector<1x8192xf32> to vector<1x128xf32>
    %add3A_760 = vector.broadcast %slice3A_759 : vector<1x128xf32> to vector<1024x128xf32>
    %add3A_761 = arith.addf %sub3A_758, %add3A_760 : vector<1024x128xf32>
    %lt3A_762 = arith.cmpf olt, %add3A_761, %select_n3A_752 : vector<1024x128xf32>
    %select_n3A_763 = arith.select %lt3A_762, %add3A_761, %select_n3A_752 : vector<1024x128xi1>, vector<1024x128xf32>
    %jit3A_764 = arith.constant 1.500000e+01 : f32
    %broadcast_in_dim3A_765 = vector.broadcast %jit3A_764 : f32 to vector<1024x128xf32>
    %select_n3A_766 = arith.select %lt3A_762, %broadcast_in_dim3A_765, %select_n3A_755 : vector<1024x128xi1>, vector<1024x128xf32>
    %reduce_min3A_767 = arith.constant dense<0x7F800000> : vector<1024xf32>
    %reduce_min3A_768 = vector.multi_reduction <minimumf>, %select_n3A_763, %reduce_min3A_767 [1] : vector<1024x128xf32> to vector<1024xf32>
    %broadcast_in_dim3A_769 = vector.shape_cast %reduce_min3A_768 : vector<1024xf32> to vector<1024x1xf32>
    %eq3A_770 = vector.broadcast %broadcast_in_dim3A_769 : vector<1024x1xf32> to vector<1024x128xf32>
    %eq3A_771 = arith.cmpf oeq, %select_n3A_763, %eq3A_770 : vector<1024x128xf32>
    %mul3A_772 = arith.constant 1.280000e+02 : f32
    %mul3A_773 = vector.broadcast %mul3A_772 : f32 to vector<1024x128xf32>
    %mul3A_774 = arith.mulf %select_n3A_766, %mul3A_773 : vector<1024x128xf32>
    %add3A_775 = arith.addf %mul3A_774, %convert_element_type3A_17 : vector<1024x128xf32>
    %jit3A_776 = arith.constant 8.192000e+03 : f32
    %broadcast_in_dim3A_777 = vector.broadcast %jit3A_776 : f32 to vector<1024x128xf32>
    %select_n3A_778 = arith.select %eq3A_771, %add3A_775, %broadcast_in_dim3A_777 : vector<1024x128xi1>, vector<1024x128xf32>
    %reduce_min3A_779 = arith.constant dense<0x7F800000> : vector<1024xf32>
    %reduce_min3A_780 = vector.multi_reduction <minimumf>, %select_n3A_778, %reduce_min3A_779 [1] : vector<1024x128xf32> to vector<1024xf32>
    %convert_element_type3A_781 = arith.fptosi %reduce_min3A_780 : vector<1024xf32> to vector<1024xi32>
    %add3A_782 = arith.constant 6144 : i32
    %add3A_783 = vector.broadcast %add3A_782 : i32 to vector<1024xi32>
    %add3A_784 = arith.addi %convert_element_type3A_781, %add3A_783 : vector<1024xi32>
    %lt3A_785 = arith.cmpf olt, %reduce_min3A_768, %select_n3A_592 : vector<1024xf32>
    %select_n3A_786 = arith.select %lt3A_785, %add3A_784, %select_n3A_593 : vector<1024xi1>, vector<1024xi32>
    %reshape3A_787 = vector.shape_cast %select_n3A_786 : vector<1024xi32> to vector<1x1x1024xi32>
    %swap3A = arith.constant 0 : index
    %swap3A_788 = arith.constant 0 : index
    %swap3A_789 = arith.constant 0 : index
    %swap3A_790 = vector.load %arg5[%swap3A, %swap3A_788, %swap3A_789] : memref<1x1x1024xi32, #tpu.memory_space<vmem>>, vector<1x1x1024xi32>
    tpu.vector_store %arg5[%swap3A, %swap3A_788, %swap3A_789], %reshape3A_787 {strides = array<i32>} : memref<1x1x1024xi32, #tpu.memory_space<vmem>>, vector<1x1x1024xi32>,
    return
  }
  func.func @transform_0(%arg0: i32) -> (i32, i32, i32) {
    %c0_i32 = arith.constant 0 : i32
    %c0_i32_0 = arith.constant 0 : i32
    %c0_i32_1 = arith.constant 0 : i32
    return %arg0, %c0_i32, %c0_i32_0 : i32, i32, i32
  }
  func.func @transform_1(%arg0: i32) -> (i32, i32) {
    %c0_i32 = arith.constant 0 : i32
    %c0_i32_0 = arith.constant 0 : i32
    return %arg0, %c0_i32 : i32, i32
  }
  func.func @transform_2(%arg0: i32) -> (i32, i32) {
    %c0_i32 = arith.constant 0 : i32
    %c0_i32_0 = arith.constant 0 : i32
    %c0_i32_1 = arith.constant 0 : i32
    return %c0_i32, %c0_i32_0 : i32, i32
  }
  func.func @transform_3(%arg0: i32) -> (i32, i32) {
    %c0_i32 = arith.constant 0 : i32
    %c0_i32_0 = arith.constant 0 : i32
    %c0_i32_1 = arith.constant 0 : i32
    return %c0_i32, %c0_i32_0 : i32, i32
  }
  func.func @transform_4(%arg0: i32) -> (i32, i32, i32) {
    %c0_i32 = arith.constant 0 : i32
    %c0_i32_0 = arith.constant 0 : i32
    %c0_i32_1 = arith.constant 0 : i32
    return %arg0, %c0_i32, %c0_i32_0 : i32, i32, i32
  }
}

module attributes {stable_mosaic.version = 14 : i64} {
  func.func @_epilogue(%arg0: i32, %arg1: memref<4096x32xf32, #tpu.memory_space<vmem>>, %arg2: memref<4096x128xf32, #tpu.memory_space<vmem>>, %arg3: memref<1x1x4096xi32, #tpu.memory_space<vmem>>, %arg4: memref<4096x32xf32, #tpu.memory_space<vmem>>, %arg5: memref<1x1xf32, #tpu.memory_space<vmem>>) attributes {dimension_semantics = [#tpu.dimension_semantics<arbitrary>], iteration_bounds = array<i64: 2>, scalar_prefetch = 0 : i64, scratch_operands = 0 : i64, tpu.core_type = #tpu.core_type<tc>, window_params = [{transform_indices = @transform_0, window_bounds = array<i64: 4096, 32>}, {transform_indices = @transform_1, window_bounds = array<i64: 4096, 128>}, {transform_indices = @transform_2, window_bounds = array<i64: 1, 1, 4096>}, {transform_indices = @transform_3, window_bounds = array<i64: 4096, 32>}, {pipeline_mode = #tpu.pipeline_mode<synchronous>, transform_indices = @transform_4, window_bounds = array<i64: 1, 1>}]} {
    %get3A = arith.constant 0 : index
    %get3A_0 = arith.constant 0 : index
    %get3A_1 = vector.load %arg1[%get3A, %get3A_0] : memref<4096x32xf32, #tpu.memory_space<vmem>>, vector<4096x32xf32>
    %get3A_2 = arith.constant 0 : index
    %get3A_3 = arith.constant 0 : index
    %get3A_4 = vector.load %arg2[%get3A_2, %get3A_3] : memref<4096x128xf32, #tpu.memory_space<vmem>>, vector<4096x128xf32>
    %get3A_5 = arith.constant 0 : index
    %get3A_6 = arith.constant 0 : index
    %get3A_7 = arith.constant 0 : index
    %get3A_8 = vector.load %arg3[%get3A_5, %get3A_6, %get3A_7] : memref<1x1x4096xi32, #tpu.memory_space<vmem>>, vector<1x1x4096xi32>
    %get3A_9 = vector.shape_cast %get3A_8 : vector<1x1x4096xi32> to vector<4096xi32>
    %and3A = arith.constant 3 : i32
    %and3A_10 = vector.broadcast %and3A : i32 to vector<4096xi32>
    %and3A_11 = arith.andi %get3A_9, %and3A_10 : vector<4096xi32>
    %reshape3A = vector.shape_cast %and3A_11 : vector<4096xi32> to vector<4096x1xi32>
    %eq3A = arith.constant 0 : i32
    %eq3A_12 = vector.broadcast %eq3A : i32 to vector<4096x1xi32>
    %eq3A_13 = arith.cmpi eq, %reshape3A, %eq3A_12 : vector<4096x1xi32>
    %slice3A = vector.extract_strided_slice %get3A_4 {offsets = [0, 0], sizes = [4096, 32], strides = [1, 1]} : vector<4096x128xf32> to vector<4096x32xf32>
    %eq3A_14 = arith.constant 1 : i32
    %eq3A_15 = vector.broadcast %eq3A_14 : i32 to vector<4096x1xi32>
    %eq3A_16 = arith.cmpi eq, %reshape3A, %eq3A_15 : vector<4096x1xi32>
    %slice3A_17 = vector.extract_strided_slice %get3A_4 {offsets = [0, 32], sizes = [4096, 32], strides = [1, 1]} : vector<4096x128xf32> to vector<4096x32xf32>
    %eq3A_18 = arith.constant 2 : i32
    %eq3A_19 = vector.broadcast %eq3A_18 : i32 to vector<4096x1xi32>
    %eq3A_20 = arith.cmpi eq, %reshape3A, %eq3A_19 : vector<4096x1xi32>
    %slice3A_21 = vector.extract_strided_slice %get3A_4 {offsets = [0, 64], sizes = [4096, 32], strides = [1, 1]} : vector<4096x128xf32> to vector<4096x32xf32>
    %slice3A_22 = vector.extract_strided_slice %get3A_4 {offsets = [0, 96], sizes = [4096, 32], strides = [1, 1]} : vector<4096x128xf32> to vector<4096x32xf32>
    %broadcast_in_dim3A = vector.shape_cast %eq3A_20 : vector<4096x1xi1> to vector<4096x1xi1>
    %broadcast_in_dim3A_23 = vector.broadcast %broadcast_in_dim3A : vector<4096x1xi1> to vector<4096x32xi1>
    %select_n3A = arith.select %broadcast_in_dim3A_23, %slice3A_21, %slice3A_22 : vector<4096x32xi1>, vector<4096x32xf32>
    %broadcast_in_dim3A_24 = vector.shape_cast %eq3A_16 : vector<4096x1xi1> to vector<4096x1xi1>
    %broadcast_in_dim3A_25 = vector.broadcast %broadcast_in_dim3A_24 : vector<4096x1xi1> to vector<4096x32xi1>
    %select_n3A_26 = arith.select %broadcast_in_dim3A_25, %slice3A_17, %select_n3A : vector<4096x32xi1>, vector<4096x32xf32>
    %broadcast_in_dim3A_27 = vector.shape_cast %eq3A_13 : vector<4096x1xi1> to vector<4096x1xi1>
    %broadcast_in_dim3A_28 = vector.broadcast %broadcast_in_dim3A_27 : vector<4096x1xi1> to vector<4096x32xi1>
    %select_n3A_29 = arith.select %broadcast_in_dim3A_28, %slice3A, %select_n3A_26 : vector<4096x32xi1>, vector<4096x32xf32>
    %sub3A = arith.subf %select_n3A_29, %get3A_1 : vector<4096x32xf32>
    %add3A = arith.addf %get3A_1, %sub3A : vector<4096x32xf32>
    %swap3A = arith.constant 0 : index
    %swap3A_30 = arith.constant 0 : index
    %swap3A_31 = vector.load %arg4[%swap3A, %swap3A_30] : memref<4096x32xf32, #tpu.memory_space<vmem>>, vector<4096x32xf32>
    tpu.vector_store %arg4[%swap3A, %swap3A_30], %add3A {strides = array<i32>} : memref<4096x32xf32, #tpu.memory_space<vmem>>, vector<4096x32xf32>,
    %mul3A = arith.mulf %sub3A, %sub3A : vector<4096x32xf32>
    %reduce_sum3A = vector.shape_cast %mul3A : vector<4096x32xf32> to vector<1x4096x32xf32>
    %reduce_sum3A_32 = arith.constant dense<0.000000e+00> : vector<1xf32>
    %reduce_sum3A_33 = vector.multi_reduction <add>, %reduce_sum3A, %reduce_sum3A_32 [1, 2] : vector<1x4096x32xf32> to vector<1xf32>
    %reduce_sum3A_34 = vector.shape_cast %reduce_sum3A_33 : vector<1xf32> to vector<1x1x1xf32>
    %reduce_sum3A_35 = vector.extract %reduce_sum3A_34[0, 0, 0] : f32 from vector<1x1x1xf32>
    %reshape3A_36 = vector.broadcast %reduce_sum3A_35 : f32 to vector<1x1xf32>
    %eq3A_37 = arith.constant 0 : i32
    %eq3A_38 = arith.cmpi eq, %arg0, %eq3A_37 : i32
    %convert_element_type3A = arith.extui %eq3A_38 : i1 to i32
    %cond3A = arith.constant 0 : i32
    %cond3A_39 = arith.cmpi ne, %convert_element_type3A, %cond3A : i32
    scf.if %cond3A_39 {
      %broadcast_in_dim3A_47 = arith.constant 0.000000e+00 : f32
      %broadcast_in_dim3A_48 = vector.broadcast %broadcast_in_dim3A_47 : f32 to vector<1x1xf32>
      %swap3A_49 = arith.constant 0 : index
      %swap3A_50 = arith.constant 0 : index
      %swap3A_51 = vector.load %arg5[%swap3A_49, %swap3A_50] : memref<1x1xf32, #tpu.memory_space<vmem>>, vector<1x1xf32>
      tpu.vector_store %arg5[%swap3A_49, %swap3A_50], %broadcast_in_dim3A_48 {strides = array<i32>} : memref<1x1xf32, #tpu.memory_space<vmem>>, vector<1x1xf32>,
    } else {
    }
    %get3A_40 = arith.constant 0 : index
    %get3A_41 = arith.constant 0 : index
    %get3A_42 = vector.load %arg5[%get3A_40, %get3A_41] : memref<1x1xf32, #tpu.memory_space<vmem>>, vector<1x1xf32>
    %add3A_43 = arith.addf %get3A_42, %reshape3A_36 : vector<1x1xf32>
    %swap3A_44 = arith.constant 0 : index
    %swap3A_45 = arith.constant 0 : index
    %swap3A_46 = vector.load %arg5[%swap3A_44, %swap3A_45] : memref<1x1xf32, #tpu.memory_space<vmem>>, vector<1x1xf32>
    tpu.vector_store %arg5[%swap3A_44, %swap3A_45], %add3A_43 {strides = array<i32>} : memref<1x1xf32, #tpu.memory_space<vmem>>, vector<1x1xf32>,
    return
  }
  func.func @transform_0(%arg0: i32) -> (i32, i32) {
    %c0_i32 = arith.constant 0 : i32
    %c0_i32_0 = arith.constant 0 : i32
    return %arg0, %c0_i32 : i32, i32
  }
  func.func @transform_1(%arg0: i32) -> (i32, i32) {
    %c0_i32 = arith.constant 0 : i32
    %c0_i32_0 = arith.constant 0 : i32
    return %arg0, %c0_i32 : i32, i32
  }
  func.func @transform_2(%arg0: i32) -> (i32, i32, i32) {
    %c0_i32 = arith.constant 0 : i32
    %c0_i32_0 = arith.constant 0 : i32
    %c0_i32_1 = arith.constant 0 : i32
    return %arg0, %c0_i32, %c0_i32_0 : i32, i32, i32
  }
  func.func @transform_3(%arg0: i32) -> (i32, i32) {
    %c0_i32 = arith.constant 0 : i32
    %c0_i32_0 = arith.constant 0 : i32
    return %arg0, %c0_i32 : i32, i32
  }
  func.func @transform_4(%arg0: i32) -> (i32, i32) {
    %c0_i32 = arith.constant 0 : i32
    %c0_i32_0 = arith.constant 0 : i32
    %c0_i32_1 = arith.constant 0 : i32
    return %c0_i32, %c0_i32_0 : i32, i32
  }
}

</mosaic_0001>

<sc_bundles>
// kernel: kernel.5.cloned.1.call-start
scs
__scs_entry_jumppad:
0x0: {  	(pc) =	sbr.rel $0x88, $3  }
0x1: {  	(tag) =	ssettag $0x0;
	lr =	simm.s32 $0x1  }
0x2: {  	[smem:$0x3F9F] =	sst lr;
	_ =	strace $0xD0000000  }
0x3: {  	_ = 	snop  }
0x4: {  	_ = 	snop  }
0x5: {  	_ = 	snop  }
0x6: {  	_ = 	snop  }
0x7: {  	_ = 	snop  }
__scs_overlays_trampoline_lowered:
0x8: {  	[smem:$0x3FAE] =	sst s0  }
0x9: {  	[smem:$0x3FAF] =	sst s1  }
0xa: {  	[smem:$0x3FB0] =	sst s2  }
0xb: {  	[smem:$0x3FB1] =	sst s3  }
0xc: {  	[smem:$0x3FB2] =	sst s4  }
0xd: {  	[smem:$0x3FB3] =	sst s5  }
0xe: {  	[smem:$0x3FB4] =	sst s6  }
0xf: {  	[smem:$0x3FB5] =	sst s7  }
0x10: {  	[smem:$0x3FB6] =	sst s8  }
0x11: {  	[smem:$0x3FB7] =	sst s9;
	s0 =	simm.s32 @!p0 $0x0  }
0x12: {  	s1 =	sld [smem:$0x3F9D];
	s0 =	simm.s32 @p0 $0x1  }
0x13: {  	[smem:$0x3FB8] =	sst s0;
	s0 =	simm.s32 @!p1 $0x0  }
0x14: {  	s2 =	sld [smem:$0x3F9C];
	s0 =	simm.s32 @p1 $0x1  }
0x15: {  	[smem:$0x3FB9] =	sst s0;
	s0 =	simm.s32 @!p2 $0x0  }
0x16: {  	s3 =	sld [smem:$0x3FDB];
	s0 =	simm.s32 @p2 $0x1  }
0x17: {  	s4 =	simm.s32 $0x1BF5;
	[smem:$0x3FBB] =	sst s0  }
0x18: {  	s0 =	sld [smem:$0x3F9E];
	_ =	swait.ge [sflag:s4], $0x0  }
0x19: {  	s7 =	sld [smem:$0x3F9F]  }
0x1a: {  	s8 =	sadd.s32 $0xFFFFE003, lr  }
0x1b: {  	s9 =	sadd.s32 $0xFFFFFEF7, lr;
	s5 =	simm.s32 $0xFFFFFFFF;
	p2 =	slt.u32 s8, $0xFFFFF086  }
0x1c: {  	p1 =	slt.u32 s9, $0xF7A;
	s5 =	simm.s32 @!p2 $0x0  }
0x1d: {  	s5 =	simm.s32 @p1 $0x1;
	p0 =	seq.s32 s7, s2  }
0x1e: {  	s7 =	smul.u32 @!p0 $0xF7A, s2;
	p2 =	seq.s32 @!p0 s5, $0x0  }
0x1f: {  	s9 =	smul.u32 $0xF7A, s1;
	s8 =	simm.s32 @!p0 $0x1BF5;
	p2 =	por !p2, p0  }
0x20: {  	[sflag:s8] =	ssyncset.s32 @!p0 $0xFFFFF086;
	s6 =	sadd.s32 @!p0 s3, s7;
	s7 =	simm.s32 @!p0 $0x108  }
0x21: {  	s3 =	sadd.s32 s3, s9;
	s6 =	sadd.s32 @!p0 $0x88, s6;
	s7 =	simm.s32 @p2 $0x1082  }
0x22: {  	[simem:s7], [sflag:s8] =	dma.local @!p0 [hbm:s6], $0xF7A  }
0x23: {  	s9 =	sor.u32 $0xD0000000, s2;
	s6 =	simm.s32 $0x108;
	_ =	swait.ge @!p0 [sflag:s8], $0x0  }
0x24: {  	s3 =	sadd.s32 $0x88, s3;
	s6 =	simm.s32 @!p1 $0x1082;
	[sflag:s4] =	ssyncset.s32 $0xFFFFF086  }
0x25: {  	[simem:s6], [sflag:s4] =	dma.local [hbm:s3], $0xF7A  }
0x26: {  	[smem:$0x3F9F] =	sst s1;
	(tag) =	ssettag s2;
	_ =	strace s9  }
0x27: {  	s1 =	sld [smem:$0x3FAF]  }
0x28: {  	s2 =	sld [smem:$0x3FB0]  }
0x29: {  	s4 =	sld [smem:$0x3FB2]  }
0x2a: {  	p0 =	seq.s32 s5, $0x0;
	s5 =	sld [smem:$0x3FB3]  }
0x2b: {  	s6 =	sld [smem:$0x3FB4]  }
0x2c: {  	s7 =	sld [smem:$0x3FB5]  }
0x2d: {  	s3 =	simm.s32 $0x108;
	s8 =	sld [smem:$0x3FB6]  }
0x2e: {  	s3 =	simm.s32 @!p0 $0x1082;
	s9 =	sld [smem:$0x3FB7]  }
0x2f: {  	lr =	sadd.s32 s0, s3;
	s0 =	sld [smem:$0x3FAE]  }
0x30: {  	s3 =	sld [smem:$0x3FB1]  }
0x31: {  	[smem:$0x3FBA] =	sst s10  }
0x32: {  	s10 =	sld [smem:$0x3FB8];
	_ =	sdelay $0x3  }
0x33: {  	p0 =	seq.s32 s10, $0x1;
	s10 =	sld [smem:$0x3FBA];
	_ =	sdelay $0x3  }
0x34: {  	[smem:$0x3FBA] =	sst s10  }
0x35: {  	s10 =	sld [smem:$0x3FB9];
	_ =	sdelay $0x3  }
0x36: {  	p1 =	seq.s32 s10, $0x1;
	s10 =	sld [smem:$0x3FBA];
	_ =	sdelay $0x3  }
0x37: {  	[smem:$0x3FBA] =	sst s10  }
0x38: {  	s10 =	sld [smem:$0x3FBB]  }
0x39: {  	_ = 	snop;
	(pc) =	sbr.ind lr, $3  }
0x3a: {  	_ = 	snop  }
0x3b: {  	_ = 	snop  }
0x3c: {  	p2 =	seq.s32 s10, $0x1;
	s10 =	sld [smem:$0x3FBA]  }
0x3d: {  	_ =	shalt  }
0x3e: {  	_ =	shalt  }
0x3f: {  	_ =	shalt  }
0x40: {  	_ =	shalt  }
0x41: {  	_ =	shalt  }
0x42: {  	_ =	shalt  }
0x43: {  	_ =	shalt  }
0x44: {  	_ =	shalt  }
0x45: {  	_ =	shalt  }
0x46: {  	_ =	shalt  }
0x47: {  	_ =	shalt  }
0x48: {  	_ =	shalt  }
0x49: {  	_ =	shalt  }
0x4a: {  	_ =	shalt  }
0x4b: {  	_ =	shalt  }
0x4c: {  	_ =	shalt  }
0x4d: {  	_ =	shalt  }
0x4e: {  	_ =	shalt  }
0x4f: {  	_ =	shalt  }
0x50: {  	_ =	shalt  }
0x51: {  	_ =	shalt  }
0x52: {  	_ =	shalt  }
0x53: {  	_ =	shalt  }
0x54: {  	_ =	shalt  }
0x55: {  	_ =	shalt  }
0x56: {  	_ =	shalt  }
0x57: {  	_ =	shalt  }
0x58: {  	_ =	shalt  }
0x59: {  	_ =	shalt  }
0x5a: {  	_ =	shalt  }
0x5b: {  	_ =	shalt  }
0x5c: {  	_ =	shalt  }
0x5d: {  	_ =	shalt  }
0x5e: {  	_ =	shalt  }
0x5f: {  	_ =	shalt  }
0x60: {  	_ =	shalt  }
0x61: {  	_ =	shalt  }
0x62: {  	_ =	shalt  }
0x63: {  	_ =	shalt  }
0x64: {  	_ =	shalt  }
0x65: {  	_ =	shalt  }
0x66: {  	_ =	shalt  }
0x67: {  	_ =	shalt  }
0x68: {  	_ =	shalt  }
0x69: {  	_ =	shalt  }
0x6a: {  	_ =	shalt  }
0x6b: {  	_ =	shalt  }
0x6c: {  	_ =	shalt  }
0x6d: {  	_ =	shalt  }
0x6e: {  	_ =	shalt  }
0x6f: {  	_ =	shalt  }
0x70: {  	_ =	shalt  }
0x71: {  	_ =	shalt  }
0x72: {  	_ =	shalt  }
0x73: {  	_ =	shalt  }
0x74: {  	_ =	shalt  }
0x75: {  	_ =	shalt  }
0x76: {  	_ =	shalt  }
0x77: {  	_ =	shalt  }
0x78: {  	_ =	shalt  }
0x79: {  	_ =	shalt  }
0x7a: {  	_ =	shalt  }
0x7b: {  	_ =	shalt  }
0x7c: {  	_ =	shalt  }
0x7d: {  	_ =	shalt  }
0x7e: {  	_ =	shalt  }
0x7f: {  	_ =	shalt  }
0x80: {  	_ =	shalt  }
0x81: {  	_ =	shalt  }
0x82: {  	_ =	shalt  }
0x83: {  	_ =	shalt  }
0x84: {  	_ =	shalt  }
0x85: {  	_ =	shalt  }
0x86: {  	_ =	shalt  }
0x87: {  	_ =	shalt  }
.Lfunc_end0:
.L_simem_size_0:
called_computation_lowered:
.L_overlay_start_0:
0x88: {  	s2 =	sld [smem:$0x3FD9]  }
0x89: {  	s3 =	sld [smem:$0x3FFE];
	_ =	sdelay $0x1  }
0x8a: {  	s1 =	srdreg.scid  }
0x8b: {  	s0 =	sand.u32 $0x1, s1  }
0x8c: {  	s14 =	sshll.u32 s0, $0xA;
	s2 =	sadd.s32 s3, s2  }
0x8d: {  	s2 =	sadd.s32 s2, s14  }
0x8e: {  	[smem:$0x3FC6] =	sst s2  }
0x8f: {  	_ = 	snop  }
0x90: {  	s2 =	sld [smem:$0x3FD0];
	_ =	sdelay $0x2  }
0x91: {  	s15 =	simm.s32 $0xA;
	s4 =	simm.s32 $0x10  }
0x92: {  	[smem:s4], [sflag:s15] =	dma.local [hbm:s2], $0x1  }
0x93: {  	_ =	swait.eq [sflag:s15], $0x1  }
0x94: {  	[sflag:s15] =	ssyncset.done $0x0  }
0x95: {  	s16 =	sld [smem:$0x10];
	[sflag:s15] =	ssyncadd.s32 $0xFFFFFFFF  }
0x96: {  	s17 =	sld [smem:$0x13];
	(tm) =	ssettm $0x1  }
0x97: {  	s18 =	sld [smem:$0x3FFB];
	_ =	sdelay $0x3  }
0x98: {  	_ =	strace s18  }
0x99: {  	s4 =	sld [smem:$0x3FFC];
	_ =	sdelay $0x3  }
0x9a: {  	_ =	strace s4  }
0x9b: {  	s4 =	sld [smem:$0x3FFD];
	_ =	sdelay $0x3  }
0x9c: {  	_ =	strace s4  }
0x9d: {  	_ =	strace $0x8FFFFFFF  }
0x9e: {  	s19 =	sld [smem:$0x3FDB];
	_ =	sdelay $0x1  }
0x9f: {  	s5 =	simm.s32 $_scs_section_size  }
0xa0: {  	s6 =	simm.s32 $_size__tile_overlayer_lowered;
	s7 =	simm.s32 $_tile_overlayer_lowered  }
0xa1: {  	s22 =	simm.s32 $0x1BFF;
	s21 =	sshll.u32 s7, $0x1;
	s4 =	sadd.s32 s5, s19  }
0xa2: {  	s8 =	simm.s32 $0x0;
	s20 =	sshll.u32 s6, $0x1;
	s6 =	sadd.s32 s21, s4  }
0xa3: {  	[timem:s8], [sflag:s22] =	dma.local [hbm:s6], s20  }
0xa4: {  	_ =	swait.ge [sflag:s22], s20  }
0xa5: {  	s5 =	ssub.s32 $0x0, s20;
	[sflag:s22] =	ssyncset.done $0x0  }
0xa6: {  	[sflag:s22] =	ssyncadd.s32 s5;
	_ =	sdelay $0x1  }
0xa7: {  	s23 =	simm.s32 $0x1B8B  }
0xa8: {  	_ =	swait.ge [sflag:s23], $0x1  }
0xa9: {  	[sflag:s23] =	ssyncset.done $0x0  }
0xaa: {  	s25 =	simm.s32 $0x1B8E;
	s24 =	sld [smem:$0x3FFE];
	[sflag:s23] =	ssyncadd.s32 $0xFFFFFFFF  }
0xab: {  	s26 =	simm.s32 $execute0_lowered;
	[smem:$0x3FD2] =	sst s25  }
0xac: {  	s6 =	sshll.u32 s26, $0x1;
	_ =	strace $0x80000046;
	[dreg:$0x1] =	wrdreg $0xFFFFFFFF  }
0xad: {  	s28 =	simm.s32 $_size_execute0_lowered;
	s4 =	sadd.s32 s4, s6;
	[dreg:$0x0] =	wrdreg $0x0  }
0xae: {  	s6 =	sshll.u32 s28, $0x1;
	[dreg:$0x2] =	wrdreg s4  }
0xaf: {  	[dreg:$0x3] =	wrdreg s6  }
0xb0: {  	[dreg:$0x4] =	wrdreg $0xC0  }
0xb1: {  	_ =	task [dreg:s8], $0x5FFFF  }
0xb2: {  	[dreg:$0x1] =	wrdreg $0xFFFFFFFF  }
0xb3: {  	[dreg:$0x0] =	wrdreg $0x60  }
0xb4: {  	[dreg:$0x2] =	wrdreg s17  }
0xb5: {  	[dreg:$0x3] =	wrdreg s16  }
0xb6: {  	[dreg:$0x4] =	wrdreg s24  }
0xb7: {  	[dreg:$0x5] =	wrdreg $0x9  }
0xb8: {  	_ =	task.clear_ibuf [dreg:s8], $0x6FFFF;
	_ =	strace $0x90000046  }
0xb9: {  	s29 =	simm.s32 $0x9;
	_ =	strace $0x80000048  }
0xba: {  	_ =	swait.ge [sflag:s29], $0x1  }
0xbb: {  	[sflag:s29] =	ssyncadd.s32 $0xFFFFFFFF  }
0xbc: {  	_ =	strace $0x90000048  }
0xbd: {  	_ =	sfence  }
0xbe: {  	s30 =	sld [smem:$0x0];
	_ =	sdelay $0x2  }
0xbf: {  	s31 =	sshll.u32 s1, $0xD;
	s1 =	sshrl.u32 s1, $0x2  }
0xc0: {  	s3 =	sand.u32 $0x4000, s31;
	s1 =	sadd.s32 s1, s30  }
0xc1: {  	s0 =	sor.u32 s3, s0;
	s1 =	sshll.u32 s1, $0x11  }
0xc2: {  	s0 =	sor.u32 s1, s0  }
0xc3: {  	s0 =	sadd.s32 $0x8F2B, s0  }
0xc4: {  	[sflag:s0] =	ssyncadd.remote.s32 $0x1  }
0xc5: {  	_ =	sfence.sel $0xFFFF  }
0xc6: {  	[dreg:$0x0] =	wrdreg $0xFFFFFFFF;
	(pc) =	sbr.abs _section_cstart, $3  }
0xc7: {  	[dreg:$0x1] =	wrdreg $0xFFFFFFFF  }
0xc8: {  	_ =	task.clear_ibuf [dreg:s8], $0x2FFFF;
	_ =	strace $0x9FFFFFFF  }
0xc9: {  	(tm) =	ssettm $0x7FFFFFFF  }
tec
execute0_lowered:
.L_overlay_start_1:
0x0: {  	(tag) =	ssettag $0x1  }
0x1: {  	s1 =	rddreg [dreg:$0x0];
	s2 =	srdreg.scid  }
0x2: {  	s4 =	rddreg [dreg:$0x1];
	s0 =	stileid.u32  }
0x3: {  	s8 =	rddreg [dreg:$0x2];
	s3 =	simm.s32 $0x0;
	s6 =	sand.u32 $0x1, s2  }
0x4: {  	s5 =	sshll.u32 s0, $0x9;
	s2 =	rddreg [dreg:$0x3];
	s7 =	sshll.u32 s6, $0x8  }
0x5: {  	[smem:$0x7FF] =	sst s3;
	s9 =	sor.u32 s7, s5  }
0x6: {  	_ =	strace $0x80000047;
	s10 =	ssub.s32 $0x2, s6;
	s5 =	sshrl.u32 s9, $0x3  }
0x7: {  	s6 =	simm.s32 $0x100;
	s5 =	sadd.s32 s4, s5;
	s4 =	simm.s32 $0x2  }
0x8: {  	[tilespmem:s3], [sflag:$0x2] =	stream.linear.gather [hbm4b:s5+s3], $0x100, $0x38;
	[tilespmem:$0x8100] =	vst v63  }
0x9: {  	s7 =	simm.s32 $0x1;
	s11 =	sshrl.u32 s10, $0x1;
	_ =	swait.ge [sflag:s4], $0x100  }
0xa: {  	s9 =	sshll.u32 s9, $0x4;
	s31 =	ssub.s32 s10, s11;
	[sflag:s4] =	ssyncset.done $0x0  }
0xb: {  	s8 =	sadd.s32 s9, s8;
	s9 =	smax.u32 s31, $0x1;
	[sflag:s4] =	ssyncadd.s32 $0xFFFFFF00  }
0xc: {  	[tilespmem:s6], [sflag:$0x1] =	stream.indirect.gather [hbm4b:s1+s6], $0x80, s3, s6, $0xb8;
	[tilespmem:$0x8100] =	vst v63  }
0xd: {  	p0 =	sne.s32 s9, $0x1;
	_ =	swait.ge [sflag:s7], $0x8000  }
.Ltmp0:
0xe: {  	[sflag:s7] =	ssyncset.done $0x0;
	(pc) =	sbr.rel @!p0 .LBB2_2-.Ltmp0, $4  }
0xf: {  	s8 =	sadd.s32 $0x200, s8;
	[sflag:s7] =	ssyncadd.s32 $0xFFFF8000  }
0x10: {  	[hbm4b:s8+s3] =	stream.linear.scatter [tilespmem:s6], [sflag:$0x2], $0x8000, $0x38;
	[tilespmem:$0x8100] =	vst v63  }
0x11: {  	_ =	swait.ge [sflag:s4], $0x8000  }
0x12: {  	s9 =	sadd.s32 $0xFFFFFFFF, s9;
	[sflag:s4] =	ssyncset.done $0x0  }
.LBB2_1:
0x13: {  	p0 =	sne.s32 s9, $0x1;
	s9 =	sadd.s32 $0xFFFFFFFF, s9;
	[sflag:s4] =	ssyncadd.s32 $0xFFFF8000  }
0x14: {  	[tilespmem:s3], [sflag:$0x2] =	stream.linear.gather [hbm4b:s5+s3], $0x100, $0x38;
	[tilespmem:$0x8100] =	vst v63  }
0x15: {  	_ =	swait.ge [sflag:s4], $0x100  }
0x16: {  	[sflag:s4] =	ssyncset.done $0x0  }
0x17: {  	[sflag:s4] =	ssyncadd.s32 $0xFFFFFF00  }
0x18: {  	[tilespmem:s6], [sflag:$0x1] =	stream.indirect.gather [hbm4b:s1+s6], $0x80, s3, s6, $0xb8;
	[tilespmem:$0x8100] =	vst v63  }
0x19: {  	_ =	swait.ge [sflag:s7], $0x8000  }
.Ltmp1:
0x1a: {  	[sflag:s7] =	ssyncset.done $0x0;
	(pc) =	sbr.rel @p0 .LBB2_1-.Ltmp1, $4  }
0x1b: {  	[sflag:s7] =	ssyncadd.s32 $0xFFFF8000  }
0x1c: {  	[hbm4b:s8+s3] =	stream.linear.scatter [tilespmem:s6], [sflag:$0x2], $0x8000, $0x38;
	[tilespmem:$0x8100] =	vst v63  }
0x1d: {  	_ =	swait.ge [sflag:s4], $0x8000  }
0x1e: {  	[sflag:s4] =	ssyncset.done $0x0  }
.LBB2_2:
0x1f: {  	[sflag:s4] =	ssyncadd.s32 $0xFFFF8000  }
0x20: {  	_ =	sfence.sel $0x180000  }
0x21: {  	[bflag:$0x0] =	sbarrier.arrive $0xFFFF  }
0x22: {  	p0 =	sne.s32 s0, $0x0;
	_ =	strace $0x90000047  }
0x23: {  	s0 =	sadd.s32 @!p0 $0x100000, s2;
	[bflag:$0x2] =	sbarrier.arrive $0xFFFF  }
0x24: {  	[sflag:s0] =	ssyncadd.tile.s32 @!p0 $0x1;
	_ =	shalt  }
.Lfunc_end2:
_tile_overlayer_lowered:
.L_overlay_start_2:
0x25: {  	(tag) =	ssettag $0x2  }
0x26: {  	s0 =	rddreg [dreg:$0x0];
	s2 =	stileid.u32  }
0x27: {  	s1 =	rddreg [dreg:$0x1];
	p0 =	sne.s32 s2, $0x0  }
0x28: {  	s3 =	rddreg [dreg:$0x2];
	[bflag:$0x3] =	sbarrier.arrive $0xFFFF;
	s2 =	simm.s32 @!p0 $0x1C02  }
0x29: {  	[timem:s3], [sflag:s2] =	dma.local @!p0 [hbm:s0], s1  }
0x2a: {  	s0 =	simm.s32 @!p0 $0x2  }
0x2b: {  	_ =	swait.ge @!p0 [sflag:s0], s1  }
0x2c: {  	s1 =	ssub.s32 @!p0 $0x0, s1;
	[sflag:s0] =	ssyncset.done @!p0 $0x0  }
0x2d: {  	[sflag:s0] =	ssyncadd.s32 @!p0 s1  }
0x2e: {  	[bflag:$0x3] =	sbarrier.arrive $0xFFFF  }
0x2f: {  	_ =	shalt  }

</sc_bundles>
